<compile_context>
chip_gen: v7x
topology: tpu7x:2x2x1
jax: 0.10.2.dev20260603
libtpu: 0.0.44.dev20260713+nightly
codegen_flags: <defaults>
</compile_context>

<pallas_src>
import functools

import jax
import jax.numpy as jnp
from jax import lax
from jax.experimental import pallas as pl
from jax.experimental.pallas import tpu as pltpu
from jax.experimental.pallas import tpu_sc as plsc

N = 5000
D = 128
E = 160000
NPAD = 5120
BQ = 1280
NB = NPAD // BQ

NC = 2
NS = 16
CHUNK = 128
CH = 80
EPT = NS * CH * CHUNK
RPT = NPAD // NS


def _attn_one(x_ref, wi_ref, bi_ref, wo0_ref, bo0_ref, o_ref, k_s, rs_s):
    x = x_ref[...]
    wk = wi_ref[0, D:2 * D, :]
    bk = bi_ref[0, 0:1, D:2 * D]
    k_s[pl.ds(0, N), :] = lax.dot_general(
        x, wk, (((1,), (1,)), ((), ())),
        preferred_element_type=jnp.float32) + bk
    k_s[pl.ds(N, NPAD - N), :] = jnp.zeros((NPAD - N, D), jnp.float32)
    wv = wi_ref[0, 2 * D:3 * D, :]
    bv = bi_ref[0, 0:1, 2 * D:3 * D]
    wo0 = wo0_ref[0]
    u = lax.dot_general(
        wo0, wv, (((1,), (0,)), ((), ())),
        preferred_element_type=jnp.float32)
    c0 = jnp.sum(bv * wo0)
    wc = jnp.sum(x * u, axis=1, keepdims=True)
    rs_s[pl.ds(0, N), :] = jnp.concatenate(
        [jnp.ones((N, 1), jnp.float32), wc + c0], axis=1).astype(jnp.bfloat16)
    rs_s[pl.ds(N, NPAD - N), :] = jnp.zeros((NPAD - N, 2), jnp.bfloat16)

    wq = wi_ref[0, 0:D, :]
    bq = bi_ref[0, 0:1, 0:D]
    scale = 1.0 / jnp.sqrt(jnp.float32(D))

    def qblock(i, carry):
        xq = x_ref[pl.ds(i * BQ, BQ), :]
        q = (lax.dot_general(
            xq, wq, (((1,), (1,)), ((), ())),
            preferred_element_type=jnp.float32) + bq) * scale
        logits = lax.dot_general(
            q.astype(jnp.bfloat16), k_s[...].astype(jnp.bfloat16),
            (((1,), (1,)), ((), ())),
            preferred_element_type=jnp.float32)
        p = jnp.exp(logits.astype(jnp.bfloat16))
        res = lax.dot_general(
            p, rs_s[...], (((1,), (0,)), ((), ())),
            preferred_element_type=jnp.float32)
        o_ref[pl.ds(i * BQ, BQ), :] = (res[:, 1:2] / res[:, 0:1]
                                       + bo0_ref[0])
        return carry

    lax.fori_loop(0, NB - 1, qblock, 0)
    i = NB - 1
    xq = x_ref[pl.ds(N - BQ, BQ), :]
    q = (lax.dot_general(
        xq, wq, (((1,), (1,)), ((), ())),
        preferred_element_type=jnp.float32) + bq) * scale
    logits = lax.dot_general(
        q.astype(jnp.bfloat16), k_s[...].astype(jnp.bfloat16),
        (((1,), (1,)), ((), ())),
        preferred_element_type=jnp.float32)
    p = jnp.exp(logits.astype(jnp.bfloat16))
    res = lax.dot_general(
        p, rs_s[...], (((1,), (0,)), ((), ())),
        preferred_element_type=jnp.float32)
    o_ref[pl.ds(N - BQ, BQ), :] = res[:, 1:2] / res[:, 0:1] + bo0_ref[0]


def _attn_body(xu_ref, xi_ref, wi_ref, bi_ref, wo0_ref, bo0_ref,
               ou_ref, oi_ref, k_s, rs_s):
    _attn_one(xu_ref, wi_ref.at[0:1], bi_ref.at[0:1], wo0_ref.at[0:1],
              bo0_ref.at[0:1], ou_ref, k_s, rs_s)
    _attn_one(xi_ref, wi_ref.at[1:2], bi_ref.at[1:2], wo0_ref.at[1:2],
              bo0_ref.at[1:2], oi_ref, k_s, rs_s)


def _attn_call(x_user, x_item, wi_all, bi_all, wo0_all, bo0_all,
               interpret=False):
    return pl.pallas_call(
        _attn_body,
        out_shape=[
            jax.ShapeDtypeStruct((N, 1), jnp.float32),
            jax.ShapeDtypeStruct((N, 1), jnp.float32),
        ],
        scratch_shapes=[
            pltpu.VMEM((NPAD, D), jnp.float32),
            pltpu.VMEM((NPAD, 2), jnp.bfloat16),
        ],
        interpret=interpret,
    )(x_user, x_item, wi_all, bi_all, wo0_all, bo0_all)


def _sc_body(xs_hbm, src_hbm, dst_hbm, ones_hbm, zeros_hbm, out_hbm,
             src_v, dst_v, vals_v, ones_v, sum_v, cnt_v, mean_v,
             acc_sh, cnt_sh, xs_sh, sem):
    c = lax.axis_index("c")
    s = lax.axis_index("s")

    @pl.when(s == 0)
    def _():
        pltpu.sync_copy(zeros_hbm, acc_sh)
        pltpu.sync_copy(zeros_hbm, cnt_sh)
        pltpu.sync_copy(xs_hbm.at[pl.ds((1 - c) * NPAD, NPAD)], xs_sh)

    pltpu.sync_copy(ones_hbm.at[0], ones_v)
    pltpu.sync_copy(src_hbm.at[c, s], src_v)
    pltpu.sync_copy(dst_hbm.at[c, s], dst_v)
    plsc.subcore_barrier()

    vbuf = (vals_v.at[0], vals_v.at[1])
    sems = (sem.at[0], sem.at[1])
    pltpu.async_copy(xs_sh.at[src_v.at[0]], vbuf[0], sems[0])

    def chunk_body(j2, carry):
        j = j2 * 2
        pltpu.async_copy(xs_sh.at[src_v.at[j + 1]], vbuf[1], sems[1])
        pltpu.make_async_copy(ones_hbm.at[0], vbuf[0], sems[0]).wait()
        pltpu.sync_copy(vbuf[0], acc_sh.at[dst_v.at[j]], add=True)
        pltpu.sync_copy(ones_v, cnt_sh.at[dst_v.at[j]], add=True)

        @pl.when(j2 + 1 < CH // 2)
        def _():
            pltpu.async_copy(xs_sh.at[src_v.at[j + 2]], vbuf[0], sems[0])

        pltpu.make_async_copy(ones_hbm.at[0], vbuf[1], sems[1]).wait()
        pltpu.sync_copy(vbuf[1], acc_sh.at[dst_v.at[j + 1]], add=True)
        pltpu.sync_copy(ones_v, cnt_sh.at[dst_v.at[j + 1]], add=True)
        return carry

    lax.fori_loop(0, CH // 2, chunk_body, 0)
    plsc.subcore_barrier()

    base = s * RPT
    pltpu.sync_copy(acc_sh.at[pl.ds(base, RPT)], sum_v)
    pltpu.sync_copy(cnt_sh.at[pl.ds(base, RPT)], cnt_v)

    def fin(i, carry):
        sl = pl.ds(i * 16, 16)
        sv = sum_v[sl]
        cv = cnt_v[sl]
        mean_v[sl] = jnp.where(cv > 0.0, sv / jnp.maximum(cv, 1.0), 0.0)
        return carry

    lax.fori_loop(0, RPT // 16, fin, 0)
    pltpu.sync_copy(mean_v, out_hbm.at[pl.ds(c * NPAD + base, RPT)])


@functools.cache
def _sc_segment_mean_fn():
    return pl.kernel(
        _sc_body,
        out_type=jax.ShapeDtypeStruct((2 * NPAD,), jnp.float32),
        mesh=plsc.VectorSubcoreMesh(core_axis_name="c", subcore_axis_name="s",
                                    num_cores=NC, num_subcores=NS),
        scratch_types=[
            pltpu.VMEM((CH, CHUNK), jnp.int32),
            pltpu.VMEM((CH, CHUNK), jnp.int32),
            pltpu.VMEM((2, CHUNK), jnp.float32),
            pltpu.VMEM((CHUNK,), jnp.float32),
            pltpu.VMEM((RPT,), jnp.float32),
            pltpu.VMEM((RPT,), jnp.float32),
            pltpu.VMEM((RPT,), jnp.float32),
            pltpu.VMEM_SHARED((NPAD,), jnp.float32),
            pltpu.VMEM_SHARED((NPAD,), jnp.float32),
            pltpu.VMEM_SHARED((NPAD,), jnp.float32),
            pltpu.SemaphoreType.DMA((2,)),
        ],
    )


def _sc_segment_mean(xs_flat, src_g, dst_g, ones_h, zeros_h):
    return _sc_segment_mean_fn()(xs_flat, src_g, dst_g, ones_h, zeros_h)


def _expand_body(m0_ref, m1_ref, x0_ref, x1_ref, wl_ref, bl_ref, wr_ref,
                 o0_ref, o1_ref):
    o0_ref[...] = m0_ref[...] * wl_ref[0] + bl_ref[0] + x0_ref[...] * wr_ref[0]
    o1_ref[...] = m1_ref[...] * wl_ref[1] + bl_ref[1] + x1_ref[...] * wr_ref[1]


def _expand_call(mean0, mean1, xs0, xs1, wl_all, bl_all, wr_all,
                 interpret=False):
    be = 512
    vec = pl.BlockSpec((be, 1), lambda i: (i, 0))
    wrow = pl.BlockSpec((2, 1, D), lambda i: (0, 0, 0))
    return pl.pallas_call(
        _expand_body,
        grid=(NPAD // be,),
        in_specs=[vec, vec, vec, vec, wrow, wrow, wrow],
        out_specs=[
            pl.BlockSpec((be, D), lambda i: (i, 0)),
            pl.BlockSpec((be, D), lambda i: (i, 0)),
        ],
        out_shape=[
            jax.ShapeDtypeStruct((N, D), jnp.float32),
            jax.ShapeDtypeStruct((N, D), jnp.float32),
        ],
        interpret=interpret,
    )(mean0, mean1, xs0, xs1, wl_all, bl_all, wr_all)


def _prep_edges(edge_index_iu, edge_index_ui):
    pad_n = EPT - E
    ar = jnp.arange(pad_n, dtype=jnp.int32)
    pad_src = ar % N
    pad_dst = N + (ar % (NPAD - N))
    src0 = jnp.concatenate([edge_index_iu[0], pad_src])
    dst0 = jnp.concatenate([edge_index_iu[1], pad_dst])
    src1 = jnp.concatenate([edge_index_ui[0], pad_src])
    dst1 = jnp.concatenate([edge_index_ui[1], pad_dst])
    src_g = jnp.stack([src0, src1]).reshape(2, NS, CH, CHUNK)
    dst_g = jnp.stack([dst0, dst1]).reshape(2, NS, CH, CHUNK)
    return src_g, dst_g


def kernel(x_user, x_item, edge_index_ui, edge_index_iu,
           Wi_user, bi_user, Wo_user, bo_user,
           Wi_item, bi_item, Wo_item, bo_item,
           Wl_ui, bl_ui, Wr_ui, Wl_iu, bl_iu, Wr_iu):
    wi_all = jnp.stack([Wi_user, Wi_item])
    bi_all = jnp.stack([bi_user, bi_item]).reshape(2, 1, 3 * D)
    wo0_all = jnp.stack([Wo_user[0:1, :], Wo_item[0:1, :]])
    bo0_all = jnp.stack([bo_user[0:1], bo_item[0:1]]).reshape(2, 1, 1)

    xs_u, xs_i = _attn_call(x_user, x_item, wi_all, bi_all, wo0_all, bo0_all)

    src_g, dst_g = _prep_edges(edge_index_iu, edge_index_ui)
    pad1 = jnp.zeros((NPAD - N,), jnp.float32)
    xs_flat = jnp.concatenate(
        [xs_u[:, 0], pad1, xs_i[:, 0], pad1])
    ones_h = jnp.ones((1, CHUNK), jnp.float32)
    zeros_h = jnp.zeros((NPAD,), jnp.float32)
    mean_all = _sc_segment_mean(xs_flat, src_g, dst_g, ones_h, zeros_h)

    wl_all = jnp.stack([Wl_iu[:, 0], Wl_ui[:, 0]]).reshape(2, 1, D)
    bl_all = jnp.stack([bl_iu, bl_ui]).reshape(2, 1, D)
    wr_all = jnp.stack([Wr_iu[:, 0], Wr_ui[:, 0]]).reshape(2, 1, D)
    mean2 = mean_all.reshape(2, NPAD, 1)
    o0, o1 = _expand_call(mean2[0], mean2[1], xs_u, xs_i,
                          wl_all, bl_all, wr_all)
    return (o0, o1)

# --- scband reference (transcript-rebuilt; emitter-appended) ---
"""Pipeline reference for scband-attn-dbgnnlayer-58067957842554 (READ-ONLY COPY).

The authoritative reference and input builder live on the scoring server;
editing this copy changes nothing except your own understanding.
"""

import jax, jax.numpy as jnp
import numpy as np

N_USER = 5000
N_ITEM = 5000
D = 128
E = 160000


def setup_inputs(seed: int = 0) -> dict:
    key = jax.random.key(seed)
    ks = jax.random.split(key, 24)
    inp = {}
    inp["x_user"] = jax.random.normal(ks[0], (N_USER, D), dtype=jnp.float32)
    inp["x_item"] = jax.random.normal(ks[1], (N_ITEM, D), dtype=jnp.float32)
    inp["edge_index_ui"] = jax.random.randint(ks[2], (2, E), 0, N_USER, dtype=jnp.int32)
    inp["edge_index_iu"] = jax.random.randint(ks[3], (2, E), 0, N_ITEM, dtype=jnp.int32)
    s = 1.0 / np.sqrt(D)
    # MultiheadAttention params (num_heads=1) per node type
    inp["Wi_user"] = jax.random.uniform(ks[4], (3 * D, D), minval=-s, maxval=s, dtype=jnp.float32)
    inp["bi_user"] = jnp.zeros((3 * D,), dtype=jnp.float32)
    inp["Wo_user"] = jax.random.uniform(ks[5], (D, D), minval=-s, maxval=s, dtype=jnp.float32)
    inp["bo_user"] = jnp.zeros((D,), dtype=jnp.float32)
    inp["Wi_item"] = jax.random.uniform(ks[6], (3 * D, D), minval=-s, maxval=s, dtype=jnp.float32)
    inp["bi_item"] = jnp.zeros((3 * D,), dtype=jnp.float32)
    inp["Wo_item"] = jax.random.uniform(ks[7], (D, D), minval=-s, maxval=s, dtype=jnp.float32)
    inp["bo_item"] = jnp.zeros((D,), dtype=jnp.float32)
    # SAGEConv params per edge type. Lazy in_channels resolves to 1 because
    # xs[m] = attn_out[:, 0].unsqueeze(1) has feature dim 1 for 2D node inputs.
    inp["Wl_ui"] = jax.random.uniform(ks[8], (D, 1), minval=-1.0, maxval=1.0, dtype=jnp.float32)
    inp["bl_ui"] = jnp.zeros((D,), dtype=jnp.float32)
    inp["Wr_ui"] = jax.random.uniform(ks[9], (D, 1), minval=-1.0, maxval=1.0, dtype=jnp.float32)
    inp["Wl_iu"] = jax.random.uniform(ks[10], (D, 1), minval=-1.0, maxval=1.0, dtype=jnp.float32)
    inp["bl_iu"] = jnp.zeros((D,), dtype=jnp.float32)
    inp["Wr_iu"] = jax.random.uniform(ks[11], (D, 1), minval=-1.0, maxval=1.0, dtype=jnp.float32)
    return inp


def _mha_first_col(x, Wi, bi, Wo, bo):
    # torch.nn.MultiheadAttention, num_heads=1, unbatched 2D input [N, D]
    qkv = x @ Wi.T + bi
    q, k, v = jnp.split(qkv, 3, axis=1)
    scale = 1.0 / jnp.sqrt(jnp.asarray(D, jnp.float32))
    attn = jax.nn.softmax((q * scale) @ k.T, axis=-1)
    out = attn @ v
    out = out @ Wo.T + bo
    # tmp[:, 0] -> shape [N]; then unsqueeze(1) -> [N, 1]
    return out[:, 0:1]


def _sage(x_src, x_dst, edge_index, Wl, bl, Wr, n_dst):
    # PyG SAGEConv(aggr='mean', root_weight=True): lin_l(mean_j x_src[j]) + lin_r(x_dst)
    src = edge_index[0]
    dst = edge_index[1]
    msg = jnp.take(x_src, src, axis=0)
    s = jax.ops.segment_sum(msg, dst, num_segments=n_dst)
    cnt = jax.ops.segment_sum(jnp.ones((msg.shape[0], 1), jnp.float32), dst, num_segments=n_dst)
    mean = jnp.where(cnt > 0, s / jnp.maximum(cnt, 1.0), 0.0)
    return mean @ Wl.T + bl + x_dst @ Wr.T


def reference(x_user, x_item, edge_index_ui, edge_index_iu,
              Wi_user, bi_user, Wo_user, bo_user,
              Wi_item, bi_item, Wo_item, bo_item,
              Wl_ui, bl_ui, Wr_ui, Wl_iu, bl_iu, Wr_iu):
    xs_user = _mha_first_col(x_user, Wi_user, bi_user, Wo_user, bo_user)  # [N_USER, 1]
    xs_item = _mha_first_col(x_item, Wi_item, bi_item, Wo_item, bo_item)  # [N_ITEM, 1]
    # edge type (user, to, item): src=user, dst=item
    new_item = _sage(xs_user, xs_item, edge_index_ui, Wl_ui, bl_ui, Wr_ui, N_ITEM)
    # edge type (item, to, user): src=item, dst=user
    new_user = _sage(xs_item, xs_user, edge_index_iu, Wl_iu, bl_iu, Wr_iu, N_USER)
    # 2D node inputs -> new_dict[m] = xs[m] directly
    return (new_user, new_item)

if __name__ == "__main__":
    import jax
    _d = setup_inputs()
    print(jax.jit(kernel)(*tuple(_d.values())))

</pallas_src>

<mosaic_0001>
#map = affine_map<(d0, d1) -> (0)>
#map1 = affine_map<(d0, d1) -> (0, 0, 0, 0)>
#map2 = affine_map<(d0, d1) -> (0, 0)>
module attributes {stable_mosaic.version = 14 : i64} {
  func.func @_sc_body(%arg0: i32, %arg1: i32, %arg2: memref<10240xf32, #tpu.memory_space<hbm>>, %arg3: memref<2x16x80x128xi32, #tpu.memory_space<hbm>>, %arg4: memref<2x16x80x128xi32, #tpu.memory_space<hbm>>, %arg5: memref<1x128xf32, #tpu.memory_space<hbm>>, %arg6: memref<5120xf32, #tpu.memory_space<hbm>>, %arg7: memref<10240xf32, #tpu.memory_space<hbm>>, %arg8: memref<80x128xi32, #tpu.memory_space<vmem>>, %arg9: memref<80x128xi32, #tpu.memory_space<vmem>>, %arg10: memref<2x128xf32, #tpu.memory_space<vmem>>, %arg11: memref<128xf32, #tpu.memory_space<vmem>>, %arg12: memref<320xf32, #tpu.memory_space<vmem>>, %arg13: memref<320xf32, #tpu.memory_space<vmem>>, %arg14: memref<320xf32, #tpu.memory_space<vmem>>, %arg15: memref<5120xf32, #tpu.memory_space<vmem_shared>>, %arg16: memref<5120xf32, #tpu.memory_space<vmem_shared>>, %arg17: memref<5120xf32, #tpu.memory_space<vmem_shared>>, %arg18: memref<2x!tpu.dma_semaphore, #tpu.memory_space<semaphore_mem>>) attributes {dimension_semantics = [#tpu.dimension_semantics<core_parallel>, #tpu.dimension_semantics<subcore_parallel>], iteration_bounds = array<i64: 2, 16>, scalar_prefetch = 0 : i64, scratch_operands = 11 : i64, tpu.core_type = #tpu.core_type<sc_vector_subcore>, window_params = [{transform_indices = #map}, {transform_indices = #map1}, {transform_indices = #map1}, {transform_indices = #map2}, {transform_indices = #map}, {transform_indices = #map}]} {
    %eq3A = arith.constant 0 : i32
    %eq3A_0 = arith.cmpi eq, %arg1, %eq3A : i32
    %convert_element_type3A = arith.extui %eq3A_0 : i1 to i32
    %cond3A = arith.constant 0 : i32
    %cond3A_1 = arith.cmpi ne, %convert_element_type3A, %cond3A : i32
    scf.if %cond3A_1 {
      "tpu.region"() ({
        %run_scoped3A_36 = tpu.sem_alloc : memref<!tpu.dma_semaphore, #tpu.memory_space<semaphore_mem>>
        tpu.enqueue_dma source(%arg6 : memref<5120xf32, #tpu.memory_space<hbm>>) target(%arg15 : memref<5120xf32, #tpu.memory_space<vmem_shared>>) target_semaphore(%run_scoped3A_36 : memref<!tpu.dma_semaphore, #tpu.memory_space<semaphore_mem>>)
        tpu.wait_dma2 semaphore(%run_scoped3A_36 : memref<!tpu.dma_semaphore, #tpu.memory_space<semaphore_mem>>) src(%arg6 : memref<5120xf32, #tpu.memory_space<hbm>>) dst(%arg15 : memref<5120xf32, #tpu.memory_space<vmem_shared>>)
        tpu.yield
      }) : () -> ()
      "tpu.region"() ({
        %run_scoped3A_36 = tpu.sem_alloc : memref<!tpu.dma_semaphore, #tpu.memory_space<semaphore_mem>>
        tpu.enqueue_dma source(%arg6 : memref<5120xf32, #tpu.memory_space<hbm>>) target(%arg16 : memref<5120xf32, #tpu.memory_space<vmem_shared>>) target_semaphore(%run_scoped3A_36 : memref<!tpu.dma_semaphore, #tpu.memory_space<semaphore_mem>>)
        tpu.wait_dma2 semaphore(%run_scoped3A_36 : memref<!tpu.dma_semaphore, #tpu.memory_space<semaphore_mem>>) src(%arg6 : memref<5120xf32, #tpu.memory_space<hbm>>) dst(%arg16 : memref<5120xf32, #tpu.memory_space<vmem_shared>>)
        tpu.yield
      }) : () -> ()
      %sub3A = arith.constant 1 : i32
      %sub3A_33 = arith.subi %sub3A, %arg0 : i32
      %mul3A_34 = arith.constant 5120 : i32
      %mul3A_35 = arith.muli %sub3A_33, %mul3A_34 : i32
      "tpu.region"() ({
        %run_scoped3A_36 = tpu.sem_alloc : memref<!tpu.dma_semaphore, #tpu.memory_space<semaphore_mem>>
        %dma_start3A_37 = tpu.memref_slice %arg2[%mul3A_35] : memref<10240xf32, #tpu.memory_space<hbm>> -> memref<5120xf32, #tpu.memory_space<hbm>>
        tpu.enqueue_dma source(%dma_start3A_37 : memref<5120xf32, #tpu.memory_space<hbm>>) target(%arg17 : memref<5120xf32, #tpu.memory_space<vmem_shared>>) target_semaphore(%run_scoped3A_36 : memref<!tpu.dma_semaphore, #tpu.memory_space<semaphore_mem>>)
        %dma_wait3A = tpu.memref_slice %arg2[%mul3A_35] : memref<10240xf32, #tpu.memory_space<hbm>> -> memref<5120xf32, #tpu.memory_space<hbm>>
        tpu.wait_dma2 semaphore(%run_scoped3A_36 : memref<!tpu.dma_semaphore, #tpu.memory_space<semaphore_mem>>) src(%dma_wait3A : memref<5120xf32, #tpu.memory_space<hbm>>) dst(%arg17 : memref<5120xf32, #tpu.memory_space<vmem_shared>>)
        tpu.yield
      }) : () -> ()
    } else {
    }
    %run_scoped3A = arith.constant 0 : i32
    "tpu.region"() ({
      %run_scoped3A_33 = tpu.sem_alloc : memref<!tpu.dma_semaphore, #tpu.memory_space<semaphore_mem>>
      %dma_start3A_34 = arith.constant 0 : i32
      %dma_start3A_35 = tpu.memref_slice %arg5[%run_scoped3A, %dma_start3A_34] : memref<1x128xf32, #tpu.memory_space<hbm>> -> memref<1x128xf32, #tpu.memory_space<hbm>>
      %dma_start3A_36 = tpu.memref_squeeze %dma_start3A_35 : memref<1x128xf32, #tpu.memory_space<hbm>> -> memref<128xf32, #tpu.memory_space<hbm>>
      %dma_start3A_37 = arith.constant 0 : i32
      %dma_start3A_38 = tpu.memref_slice %arg5[%run_scoped3A, %dma_start3A_37] : memref<1x128xf32, #tpu.memory_space<hbm>> -> memref<1x128xf32, #tpu.memory_space<hbm>>
      %dma_start3A_39 = tpu.memref_squeeze %dma_start3A_38 : memref<1x128xf32, #tpu.memory_space<hbm>> -> memref<128xf32, #tpu.memory_space<hbm>>
      tpu.enqueue_dma source(%dma_start3A_39 : memref<128xf32, #tpu.memory_space<hbm>>) target(%arg11 : memref<128xf32, #tpu.memory_space<vmem>>) target_semaphore(%run_scoped3A_33 : memref<!tpu.dma_semaphore, #tpu.memory_space<semaphore_mem>>)
      %dma_wait3A = arith.constant 0 : i32
      %dma_wait3A_40 = tpu.memref_slice %arg5[%run_scoped3A, %dma_wait3A] : memref<1x128xf32, #tpu.memory_space<hbm>> -> memref<1x128xf32, #tpu.memory_space<hbm>>
      %dma_wait3A_41 = tpu.memref_squeeze %dma_wait3A_40 : memref<1x128xf32, #tpu.memory_space<hbm>> -> memref<128xf32, #tpu.memory_space<hbm>>
      %dma_wait3A_42 = arith.constant 0 : i32
      %dma_wait3A_43 = tpu.memref_slice %arg5[%run_scoped3A, %dma_wait3A_42] : memref<1x128xf32, #tpu.memory_space<hbm>> -> memref<1x128xf32, #tpu.memory_space<hbm>>
      %dma_wait3A_44 = tpu.memref_squeeze %dma_wait3A_43 : memref<1x128xf32, #tpu.memory_space<hbm>> -> memref<128xf32, #tpu.memory_space<hbm>>
      tpu.wait_dma2 semaphore(%run_scoped3A_33 : memref<!tpu.dma_semaphore, #tpu.memory_space<semaphore_mem>>) src(%dma_wait3A_44 : memref<128xf32, #tpu.memory_space<hbm>>) dst(%arg11 : memref<128xf32, #tpu.memory_space<vmem>>)
      tpu.yield
    }) : () -> ()
    "tpu.region"() ({
      %run_scoped3A_33 = tpu.sem_alloc : memref<!tpu.dma_semaphore, #tpu.memory_space<semaphore_mem>>
      %dma_start3A_34 = arith.constant 0 : i32
      %dma_start3A_35 = arith.constant 0 : i32
      %dma_start3A_36 = tpu.memref_slice %arg3[%arg0, %arg1, %dma_start3A_34, %dma_start3A_35] : memref<2x16x80x128xi32, #tpu.memory_space<hbm>> -> memref<1x1x80x128xi32, #tpu.memory_space<hbm>>
      %dma_start3A_37 = tpu.memref_squeeze %dma_start3A_36 : memref<1x1x80x128xi32, #tpu.memory_space<hbm>> -> memref<80x128xi32, #tpu.memory_space<hbm>>
      %dma_start3A_38 = arith.constant 0 : i32
      %dma_start3A_39 = arith.constant 0 : i32
      %dma_start3A_40 = tpu.memref_slice %arg3[%arg0, %arg1, %dma_start3A_38, %dma_start3A_39] : memref<2x16x80x128xi32, #tpu.memory_space<hbm>> -> memref<1x1x80x128xi32, #tpu.memory_space<hbm>>
      %dma_start3A_41 = tpu.memref_squeeze %dma_start3A_40 : memref<1x1x80x128xi32, #tpu.memory_space<hbm>> -> memref<80x128xi32, #tpu.memory_space<hbm>>
      tpu.enqueue_dma source(%dma_start3A_41 : memref<80x128xi32, #tpu.memory_space<hbm>>) target(%arg8 : memref<80x128xi32, #tpu.memory_space<vmem>>) target_semaphore(%run_scoped3A_33 : memref<!tpu.dma_semaphore, #tpu.memory_space<semaphore_mem>>)
      %dma_wait3A = arith.constant 0 : i32
      %dma_wait3A_42 = arith.constant 0 : i32
      %dma_wait3A_43 = tpu.memref_slice %arg3[%arg0, %arg1, %dma_wait3A, %dma_wait3A_42] : memref<2x16x80x128xi32, #tpu.memory_space<hbm>> -> memref<1x1x80x128xi32, #tpu.memory_space<hbm>>
      %dma_wait3A_44 = tpu.memref_squeeze %dma_wait3A_43 : memref<1x1x80x128xi32, #tpu.memory_space<hbm>> -> memref<80x128xi32, #tpu.memory_space<hbm>>
      %dma_wait3A_45 = arith.constant 0 : i32
      %dma_wait3A_46 = arith.constant 0 : i32
      %dma_wait3A_47 = tpu.memref_slice %arg3[%arg0, %arg1, %dma_wait3A_45, %dma_wait3A_46] : memref<2x16x80x128xi32, #tpu.memory_space<hbm>> -> memref<1x1x80x128xi32, #tpu.memory_space<hbm>>
      %dma_wait3A_48 = tpu.memref_squeeze %dma_wait3A_47 : memref<1x1x80x128xi32, #tpu.memory_space<hbm>> -> memref<80x128xi32, #tpu.memory_space<hbm>>
      tpu.wait_dma2 semaphore(%run_scoped3A_33 : memref<!tpu.dma_semaphore, #tpu.memory_space<semaphore_mem>>) src(%dma_wait3A_48 : memref<80x128xi32, #tpu.memory_space<hbm>>) dst(%arg8 : memref<80x128xi32, #tpu.memory_space<vmem>>)
      tpu.yield
    }) : () -> ()
    "tpu.region"() ({
      %run_scoped3A_33 = tpu.sem_alloc : memref<!tpu.dma_semaphore, #tpu.memory_space<semaphore_mem>>
      %dma_start3A_34 = arith.constant 0 : i32
      %dma_start3A_35 = arith.constant 0 : i32
      %dma_start3A_36 = tpu.memref_slice %arg4[%arg0, %arg1, %dma_start3A_34, %dma_start3A_35] : memref<2x16x80x128xi32, #tpu.memory_space<hbm>> -> memref<1x1x80x128xi32, #tpu.memory_space<hbm>>
      %dma_start3A_37 = tpu.memref_squeeze %dma_start3A_36 : memref<1x1x80x128xi32, #tpu.memory_space<hbm>> -> memref<80x128xi32, #tpu.memory_space<hbm>>
      %dma_start3A_38 = arith.constant 0 : i32
      %dma_start3A_39 = arith.constant 0 : i32
      %dma_start3A_40 = tpu.memref_slice %arg4[%arg0, %arg1, %dma_start3A_38, %dma_start3A_39] : memref<2x16x80x128xi32, #tpu.memory_space<hbm>> -> memref<1x1x80x128xi32, #tpu.memory_space<hbm>>
      %dma_start3A_41 = tpu.memref_squeeze %dma_start3A_40 : memref<1x1x80x128xi32, #tpu.memory_space<hbm>> -> memref<80x128xi32, #tpu.memory_space<hbm>>
      tpu.enqueue_dma source(%dma_start3A_41 : memref<80x128xi32, #tpu.memory_space<hbm>>) target(%arg9 : memref<80x128xi32, #tpu.memory_space<vmem>>) target_semaphore(%run_scoped3A_33 : memref<!tpu.dma_semaphore, #tpu.memory_space<semaphore_mem>>)
      %dma_wait3A = arith.constant 0 : i32
      %dma_wait3A_42 = arith.constant 0 : i32
      %dma_wait3A_43 = tpu.memref_slice %arg4[%arg0, %arg1, %dma_wait3A, %dma_wait3A_42] : memref<2x16x80x128xi32, #tpu.memory_space<hbm>> -> memref<1x1x80x128xi32, #tpu.memory_space<hbm>>
      %dma_wait3A_44 = tpu.memref_squeeze %dma_wait3A_43 : memref<1x1x80x128xi32, #tpu.memory_space<hbm>> -> memref<80x128xi32, #tpu.memory_space<hbm>>
      %dma_wait3A_45 = arith.constant 0 : i32
      %dma_wait3A_46 = arith.constant 0 : i32
      %dma_wait3A_47 = tpu.memref_slice %arg4[%arg0, %arg1, %dma_wait3A_45, %dma_wait3A_46] : memref<2x16x80x128xi32, #tpu.memory_space<hbm>> -> memref<1x1x80x128xi32, #tpu.memory_space<hbm>>
      %dma_wait3A_48 = tpu.memref_squeeze %dma_wait3A_47 : memref<1x1x80x128xi32, #tpu.memory_space<hbm>> -> memref<80x128xi32, #tpu.memory_space<hbm>>
      tpu.wait_dma2 semaphore(%run_scoped3A_33 : memref<!tpu.dma_semaphore, #tpu.memory_space<semaphore_mem>>) src(%dma_wait3A_48 : memref<80x128xi32, #tpu.memory_space<hbm>>) dst(%arg9 : memref<80x128xi32, #tpu.memory_space<vmem>>)
      tpu.yield
    }) : () -> ()
    %barrier3A = arith.constant 0 : index
    tpu.barrier barrier_id(%barrier3A)
    %dma_start3A = arith.constant 0 : i32
    %dma_start3A_2 = arith.constant 0 : i32
    %dma_start3A_3 = arith.constant 0 : i32
    %dma_start3A_4 = arith.constant 0 : i32
    %dma_start3A_5 = tpu.memref_slice %arg10[%dma_start3A_2, %dma_start3A_4] : memref<2x128xf32, #tpu.memory_space<vmem>> -> memref<1x128xf32, #tpu.memory_space<vmem>>
    %dma_start3A_6 = tpu.memref_squeeze %dma_start3A_5 : memref<1x128xf32, #tpu.memory_space<vmem>> -> memref<128xf32, #tpu.memory_space<vmem>>
    %dma_start3A_7 = arith.constant 0 : i32
    %dma_start3A_8 = tpu.memref_slice %arg8[%dma_start3A, %dma_start3A_7] : memref<80x128xi32, #tpu.memory_space<vmem>> -> memref<1x128xi32, #tpu.memory_space<vmem>>
    %dma_start3A_9 = tpu.memref_squeeze %dma_start3A_8 : memref<1x128xi32, #tpu.memory_space<vmem>> -> memref<128xi32, #tpu.memory_space<vmem>>
    %dma_start3A_10 = arith.constant 0 : i32
    %dma_start3A_11 = tpu.memref_slice %arg17[%dma_start3A_10] : memref<5120xf32, #tpu.memory_space<vmem_shared>> -> memref<5120xf32, #tpu.memory_space<vmem_shared>>
    %dma_start3A_12 = tpu.memref_slice %arg18[%dma_start3A_3] : memref<2x!tpu.dma_semaphore, #tpu.memory_space<semaphore_mem>> -> memref<1x!tpu.dma_semaphore, #tpu.memory_space<semaphore_mem>>
    %dma_start3A_13 = tpu.memref_squeeze %dma_start3A_12 : memref<1x!tpu.dma_semaphore, #tpu.memory_space<semaphore_mem>> -> memref<!tpu.dma_semaphore, #tpu.memory_space<semaphore_mem>>
    tpu.enqueue_indirect_dma source(%dma_start3A_11 : memref<5120xf32, #tpu.memory_space<vmem_shared>>) target(%dma_start3A_6 : memref<128xf32, #tpu.memory_space<vmem>>) offsets(%dma_start3A_9 : memref<128xi32, #tpu.memory_space<vmem>>) semaphore(%dma_start3A_13 : memref<!tpu.dma_semaphore, #tpu.memory_space<semaphore_mem>>)
    %scan3A = arith.constant 0 : i32
    %scan3A_14 = arith.constant 1 : i32
    %scan3A_15 = arith.constant 1 : i32
    %scan3A_16 = arith.constant 0 : i32
    %scan3A_17 = arith.constant 0 : i32
    %scan3A_18 = arith.constant 0 : i32
    %scan3A_19 = arith.constant 40 : i32
    %scan3A_20 = arith.addi %scan3A_18, %scan3A_19 : i32
    %scan3A_21 = arith.constant 1 : i32
    scf.for %scan3A_33 = %scan3A_18 to %scan3A_20 step %scan3A_21  : i32 {
      %mul3A_34 = arith.constant 2 : i32
      %mul3A_35 = arith.muli %scan3A_33, %mul3A_34 : i32
      %add3A_36 = arith.constant 1 : i32
      %add3A_37 = arith.addi %mul3A_35, %add3A_36 : i32
      %dma_start3A_38 = arith.constant 0 : i32
      %dma_start3A_39 = tpu.memref_slice %arg10[%scan3A_14, %dma_start3A_38] : memref<2x128xf32, #tpu.memory_space<vmem>> -> memref<1x128xf32, #tpu.memory_space<vmem>>
      %dma_start3A_40 = tpu.memref_squeeze %dma_start3A_39 : memref<1x128xf32, #tpu.memory_space<vmem>> -> memref<128xf32, #tpu.memory_space<vmem>>
      %dma_start3A_41 = arith.constant 0 : i32
      %dma_start3A_42 = tpu.memref_slice %arg8[%add3A_37, %dma_start3A_41] : memref<80x128xi32, #tpu.memory_space<vmem>> -> memref<1x128xi32, #tpu.memory_space<vmem>>
      %dma_start3A_43 = tpu.memref_squeeze %dma_start3A_42 : memref<1x128xi32, #tpu.memory_space<vmem>> -> memref<128xi32, #tpu.memory_space<vmem>>
      %dma_start3A_44 = arith.constant 0 : i32
      %dma_start3A_45 = tpu.memref_slice %arg17[%dma_start3A_44] : memref<5120xf32, #tpu.memory_space<vmem_shared>> -> memref<5120xf32, #tpu.memory_space<vmem_shared>>
      %dma_start3A_46 = tpu.memref_slice %arg18[%scan3A_15] : memref<2x!tpu.dma_semaphore, #tpu.memory_space<semaphore_mem>> -> memref<1x!tpu.dma_semaphore, #tpu.memory_space<semaphore_mem>>
      %dma_start3A_47 = tpu.memref_squeeze %dma_start3A_46 : memref<1x!tpu.dma_semaphore, #tpu.memory_space<semaphore_mem>> -> memref<!tpu.dma_semaphore, #tpu.memory_space<semaphore_mem>>
      tpu.enqueue_indirect_dma source(%dma_start3A_45 : memref<5120xf32, #tpu.memory_space<vmem_shared>>) target(%dma_start3A_40 : memref<128xf32, #tpu.memory_space<vmem>>) offsets(%dma_start3A_43 : memref<128xi32, #tpu.memory_space<vmem>>) semaphore(%dma_start3A_47 : memref<!tpu.dma_semaphore, #tpu.memory_space<semaphore_mem>>)
      %dma_wait3A = arith.constant 0 : i32
      %dma_wait3A_48 = arith.constant 0 : i32
      %dma_wait3A_49 = tpu.memref_slice %arg10[%scan3A_16, %dma_wait3A_48] : memref<2x128xf32, #tpu.memory_space<vmem>> -> memref<1x128xf32, #tpu.memory_space<vmem>>
      %dma_wait3A_50 = tpu.memref_squeeze %dma_wait3A_49 : memref<1x128xf32, #tpu.memory_space<vmem>> -> memref<128xf32, #tpu.memory_space<vmem>>
      %dma_wait3A_51 = arith.constant 0 : i32
      %dma_wait3A_52 = tpu.memref_slice %arg5[%dma_wait3A, %dma_wait3A_51] : memref<1x128xf32, #tpu.memory_space<hbm>> -> memref<1x128xf32, #tpu.memory_space<hbm>>
      %dma_wait3A_53 = tpu.memref_squeeze %dma_wait3A_52 : memref<1x128xf32, #tpu.memory_space<hbm>> -> memref<128xf32, #tpu.memory_space<hbm>>
      %dma_wait3A_54 = tpu.memref_slice %arg18[%scan3A_17] : memref<2x!tpu.dma_semaphore, #tpu.memory_space<semaphore_mem>> -> memref<1x!tpu.dma_semaphore, #tpu.memory_space<semaphore_mem>>
      %dma_wait3A_55 = tpu.memref_squeeze %dma_wait3A_54 : memref<1x!tpu.dma_semaphore, #tpu.memory_space<semaphore_mem>> -> memref<!tpu.dma_semaphore, #tpu.memory_space<semaphore_mem>>
      %dma_wait3A_56 = arith.constant 0 : i32
      %dma_wait3A_57 = tpu.memref_slice %arg10[%scan3A_16, %dma_wait3A_56] : memref<2x128xf32, #tpu.memory_space<vmem>> -> memref<1x128xf32, #tpu.memory_space<vmem>>
      %dma_wait3A_58 = tpu.memref_squeeze %dma_wait3A_57 : memref<1x128xf32, #tpu.memory_space<vmem>> -> memref<128xf32, #tpu.memory_space<vmem>>
      %dma_wait3A_59 = arith.constant 0 : i32
      %dma_wait3A_60 = tpu.memref_slice %arg5[%dma_wait3A, %dma_wait3A_59] : memref<1x128xf32, #tpu.memory_space<hbm>> -> memref<1x128xf32, #tpu.memory_space<hbm>>
      %dma_wait3A_61 = tpu.memref_squeeze %dma_wait3A_60 : memref<1x128xf32, #tpu.memory_space<hbm>> -> memref<128xf32, #tpu.memory_space<hbm>>
      tpu.wait_dma2 semaphore(%dma_wait3A_55 : memref<!tpu.dma_semaphore, #tpu.memory_space<semaphore_mem>>) src(%dma_wait3A_61 : memref<128xf32, #tpu.memory_space<hbm>>) dst(%dma_wait3A_58 : memref<128xf32, #tpu.memory_space<vmem>>)
      "tpu.region"() ({
        %run_scoped3A_87 = tpu.sem_alloc : memref<!tpu.dma_semaphore, #tpu.memory_space<semaphore_mem>>
        %dma_start3A_88 = arith.constant 0 : i32
        %dma_start3A_89 = tpu.memref_slice %arg10[%scan3A_16, %dma_start3A_88] : memref<2x128xf32, #tpu.memory_space<vmem>> -> memref<1x128xf32, #tpu.memory_space<vmem>>
        %dma_start3A_90 = tpu.memref_squeeze %dma_start3A_89 : memref<1x128xf32, #tpu.memory_space<vmem>> -> memref<128xf32, #tpu.memory_space<vmem>>
        %dma_start3A_91 = arith.constant 0 : i32
        %dma_start3A_92 = tpu.memref_slice %arg9[%mul3A_35, %dma_start3A_91] : memref<80x128xi32, #tpu.memory_space<vmem>> -> memref<1x128xi32, #tpu.memory_space<vmem>>
        %dma_start3A_93 = tpu.memref_squeeze %dma_start3A_92 : memref<1x128xi32, #tpu.memory_space<vmem>> -> memref<128xi32, #tpu.memory_space<vmem>>
        %dma_start3A_94 = arith.constant 0 : i32
        %dma_start3A_95 = tpu.memref_slice %arg15[%dma_start3A_94] : memref<5120xf32, #tpu.memory_space<vmem_shared>> -> memref<5120xf32, #tpu.memory_space<vmem_shared>>
        tpu.enqueue_indirect_dma source(%dma_start3A_90 : memref<128xf32, #tpu.memory_space<vmem>>) target(%dma_start3A_95 : memref<5120xf32, #tpu.memory_space<vmem_shared>>) offsets(%dma_start3A_93 : memref<128xi32, #tpu.memory_space<vmem>>) semaphore(%run_scoped3A_87 : memref<!tpu.dma_semaphore, #tpu.memory_space<semaphore_mem>>) {add = true}
        %dma_wait3A_96 = arith.constant 0 : i32
        %dma_wait3A_97 = tpu.memref_slice %arg10[%scan3A_16, %dma_wait3A_96] : memref<2x128xf32, #tpu.memory_space<vmem>> -> memref<1x128xf32, #tpu.memory_space<vmem>>
        %dma_wait3A_98 = tpu.memref_squeeze %dma_wait3A_97 : memref<1x128xf32, #tpu.memory_space<vmem>> -> memref<128xf32, #tpu.memory_space<vmem>>
        %dma_wait3A_99 = arith.constant 0 : i32
        %dma_wait3A_100 = tpu.memref_slice %arg9[%mul3A_35, %dma_wait3A_99] : memref<80x128xi32, #tpu.memory_space<vmem>> -> memref<1x128xi32, #tpu.memory_space<vmem>>
        %dma_wait3A_101 = tpu.memref_squeeze %dma_wait3A_100 : memref<1x128xi32, #tpu.memory_space<vmem>> -> memref<128xi32, #tpu.memory_space<vmem>>
        %dma_wait3A_102 = arith.constant 0 : i32
        %dma_wait3A_103 = tpu.memref_slice %arg15[%dma_wait3A_102] : memref<5120xf32, #tpu.memory_space<vmem_shared>> -> memref<5120xf32, #tpu.memory_space<vmem_shared>>
        tpu.wait_indirect_dma semaphore(%run_scoped3A_87 : memref<!tpu.dma_semaphore, #tpu.memory_space<semaphore_mem>>) src(%dma_wait3A_98 : memref<128xf32, #tpu.memory_space<vmem>>) dst(%dma_wait3A_103 : memref<5120xf32, #tpu.memory_space<vmem_shared>>)
        tpu.yield
      }) : () -> ()
      "tpu.region"() ({
        %run_scoped3A_87 = tpu.sem_alloc : memref<!tpu.dma_semaphore, #tpu.memory_space<semaphore_mem>>
        %dma_start3A_88 = arith.constant 0 : i32
        %dma_start3A_89 = tpu.memref_slice %arg9[%mul3A_35, %dma_start3A_88] : memref<80x128xi32, #tpu.memory_space<vmem>> -> memref<1x128xi32, #tpu.memory_space<vmem>>
        %dma_start3A_90 = tpu.memref_squeeze %dma_start3A_89 : memref<1x128xi32, #tpu.memory_space<vmem>> -> memref<128xi32, #tpu.memory_space<vmem>>
        %dma_start3A_91 = arith.constant 0 : i32
        %dma_start3A_92 = tpu.memref_slice %arg16[%dma_start3A_91] : memref<5120xf32, #tpu.memory_space<vmem_shared>> -> memref<5120xf32, #tpu.memory_space<vmem_shared>>
        tpu.enqueue_indirect_dma source(%arg11 : memref<128xf32, #tpu.memory_space<vmem>>) target(%dma_start3A_92 : memref<5120xf32, #tpu.memory_space<vmem_shared>>) offsets(%dma_start3A_90 : memref<128xi32, #tpu.memory_space<vmem>>) semaphore(%run_scoped3A_87 : memref<!tpu.dma_semaphore, #tpu.memory_space<semaphore_mem>>) {add = true}
        %dma_wait3A_93 = arith.constant 0 : i32
        %dma_wait3A_94 = tpu.memref_slice %arg9[%mul3A_35, %dma_wait3A_93] : memref<80x128xi32, #tpu.memory_space<vmem>> -> memref<1x128xi32, #tpu.memory_space<vmem>>
        %dma_wait3A_95 = tpu.memref_squeeze %dma_wait3A_94 : memref<1x128xi32, #tpu.memory_space<vmem>> -> memref<128xi32, #tpu.memory_space<vmem>>
        %dma_wait3A_96 = arith.constant 0 : i32
        %dma_wait3A_97 = tpu.memref_slice %arg16[%dma_wait3A_96] : memref<5120xf32, #tpu.memory_space<vmem_shared>> -> memref<5120xf32, #tpu.memory_space<vmem_shared>>
        tpu.wait_indirect_dma semaphore(%run_scoped3A_87 : memref<!tpu.dma_semaphore, #tpu.memory_space<semaphore_mem>>) src(%arg11 : memref<128xf32, #tpu.memory_space<vmem>>) dst(%dma_wait3A_97 : memref<5120xf32, #tpu.memory_space<vmem_shared>>)
        tpu.yield
      }) : () -> ()
      %add3A_62 = arith.constant 1 : i32
      %add3A_63 = arith.addi %scan3A_33, %add3A_62 : i32
      %lt3A = arith.constant 40 : i32
      %lt3A_64 = arith.cmpi slt, %add3A_63, %lt3A : i32
      %convert_element_type3A_65 = arith.extui %lt3A_64 : i1 to i32
      %cond3A_66 = arith.constant 0 : i32
      %cond3A_67 = arith.cmpi ne, %convert_element_type3A_65, %cond3A_66 : i32
      scf.if %cond3A_67 {
        %add3A_87 = arith.constant 2 : i32
        %add3A_88 = arith.addi %mul3A_35, %add3A_87 : i32
        %dma_start3A_89 = arith.constant 0 : i32
        %dma_start3A_90 = tpu.memref_slice %arg10[%scan3A_16, %dma_start3A_89] : memref<2x128xf32, #tpu.memory_space<vmem>> -> memref<1x128xf32, #tpu.memory_space<vmem>>
        %dma_start3A_91 = tpu.memref_squeeze %dma_start3A_90 : memref<1x128xf32, #tpu.memory_space<vmem>> -> memref<128xf32, #tpu.memory_space<vmem>>
        %dma_start3A_92 = arith.constant 0 : i32
        %dma_start3A_93 = tpu.memref_slice %arg8[%add3A_88, %dma_start3A_92] : memref<80x128xi32, #tpu.memory_space<vmem>> -> memref<1x128xi32, #tpu.memory_space<vmem>>
        %dma_start3A_94 = tpu.memref_squeeze %dma_start3A_93 : memref<1x128xi32, #tpu.memory_space<vmem>> -> memref<128xi32, #tpu.memory_space<vmem>>
        %dma_start3A_95 = arith.constant 0 : i32
        %dma_start3A_96 = tpu.memref_slice %arg17[%dma_start3A_95] : memref<5120xf32, #tpu.memory_space<vmem_shared>> -> memref<5120xf32, #tpu.memory_space<vmem_shared>>
        %dma_start3A_97 = tpu.memref_slice %arg18[%scan3A_17] : memref<2x!tpu.dma_semaphore, #tpu.memory_space<semaphore_mem>> -> memref<1x!tpu.dma_semaphore, #tpu.memory_space<semaphore_mem>>
        %dma_start3A_98 = tpu.memref_squeeze %dma_start3A_97 : memref<1x!tpu.dma_semaphore, #tpu.memory_space<semaphore_mem>> -> memref<!tpu.dma_semaphore, #tpu.memory_space<semaphore_mem>>
        tpu.enqueue_indirect_dma source(%dma_start3A_96 : memref<5120xf32, #tpu.memory_space<vmem_shared>>) target(%dma_start3A_91 : memref<128xf32, #tpu.memory_space<vmem>>) offsets(%dma_start3A_94 : memref<128xi32, #tpu.memory_space<vmem>>) semaphore(%dma_start3A_98 : memref<!tpu.dma_semaphore, #tpu.memory_space<semaphore_mem>>)
      } else {
      }
      %dma_wait3A_68 = arith.constant 0 : i32
      %dma_wait3A_69 = arith.constant 0 : i32
      %dma_wait3A_70 = tpu.memref_slice %arg10[%scan3A_14, %dma_wait3A_69] : memref<2x128xf32, #tpu.memory_space<vmem>> -> memref<1x128xf32, #tpu.memory_space<vmem>>
      %dma_wait3A_71 = tpu.memref_squeeze %dma_wait3A_70 : memref<1x128xf32, #tpu.memory_space<vmem>> -> memref<128xf32, #tpu.memory_space<vmem>>
      %dma_wait3A_72 = arith.constant 0 : i32
      %dma_wait3A_73 = tpu.memref_slice %arg5[%dma_wait3A_68, %dma_wait3A_72] : memref<1x128xf32, #tpu.memory_space<hbm>> -> memref<1x128xf32, #tpu.memory_space<hbm>>
      %dma_wait3A_74 = tpu.memref_squeeze %dma_wait3A_73 : memref<1x128xf32, #tpu.memory_space<hbm>> -> memref<128xf32, #tpu.memory_space<hbm>>
      %dma_wait3A_75 = tpu.memref_slice %arg18[%scan3A_15] : memref<2x!tpu.dma_semaphore, #tpu.memory_space<semaphore_mem>> -> memref<1x!tpu.dma_semaphore, #tpu.memory_space<semaphore_mem>>
      %dma_wait3A_76 = tpu.memref_squeeze %dma_wait3A_75 : memref<1x!tpu.dma_semaphore, #tpu.memory_space<semaphore_mem>> -> memref<!tpu.dma_semaphore, #tpu.memory_space<semaphore_mem>>
      %dma_wait3A_77 = arith.constant 0 : i32
      %dma_wait3A_78 = tpu.memref_slice %arg10[%scan3A_14, %dma_wait3A_77] : memref<2x128xf32, #tpu.memory_space<vmem>> -> memref<1x128xf32, #tpu.memory_space<vmem>>
      %dma_wait3A_79 = tpu.memref_squeeze %dma_wait3A_78 : memref<1x128xf32, #tpu.memory_space<vmem>> -> memref<128xf32, #tpu.memory_space<vmem>>
      %dma_wait3A_80 = arith.constant 0 : i32
      %dma_wait3A_81 = tpu.memref_slice %arg5[%dma_wait3A_68, %dma_wait3A_80] : memref<1x128xf32, #tpu.memory_space<hbm>> -> memref<1x128xf32, #tpu.memory_space<hbm>>
      %dma_wait3A_82 = tpu.memref_squeeze %dma_wait3A_81 : memref<1x128xf32, #tpu.memory_space<hbm>> -> memref<128xf32, #tpu.memory_space<hbm>>
      tpu.wait_dma2 semaphore(%dma_wait3A_76 : memref<!tpu.dma_semaphore, #tpu.memory_space<semaphore_mem>>) src(%dma_wait3A_82 : memref<128xf32, #tpu.memory_space<hbm>>) dst(%dma_wait3A_79 : memref<128xf32, #tpu.memory_space<vmem>>)
      %add3A_83 = arith.constant 1 : i32
      %add3A_84 = arith.addi %mul3A_35, %add3A_83 : i32
      "tpu.region"() ({
        %run_scoped3A_87 = tpu.sem_alloc : memref<!tpu.dma_semaphore, #tpu.memory_space<semaphore_mem>>
        %dma_start3A_88 = arith.constant 0 : i32
        %dma_start3A_89 = tpu.memref_slice %arg10[%scan3A_14, %dma_start3A_88] : memref<2x128xf32, #tpu.memory_space<vmem>> -> memref<1x128xf32, #tpu.memory_space<vmem>>
        %dma_start3A_90 = tpu.memref_squeeze %dma_start3A_89 : memref<1x128xf32, #tpu.memory_space<vmem>> -> memref<128xf32, #tpu.memory_space<vmem>>
        %dma_start3A_91 = arith.constant 0 : i32
        %dma_start3A_92 = tpu.memref_slice %arg9[%add3A_84, %dma_start3A_91] : memref<80x128xi32, #tpu.memory_space<vmem>> -> memref<1x128xi32, #tpu.memory_space<vmem>>
        %dma_start3A_93 = tpu.memref_squeeze %dma_start3A_92 : memref<1x128xi32, #tpu.memory_space<vmem>> -> memref<128xi32, #tpu.memory_space<vmem>>
        %dma_start3A_94 = arith.constant 0 : i32
        %dma_start3A_95 = tpu.memref_slice %arg15[%dma_start3A_94] : memref<5120xf32, #tpu.memory_space<vmem_shared>> -> memref<5120xf32, #tpu.memory_space<vmem_shared>>
        tpu.enqueue_indirect_dma source(%dma_start3A_90 : memref<128xf32, #tpu.memory_space<vmem>>) target(%dma_start3A_95 : memref<5120xf32, #tpu.memory_space<vmem_shared>>) offsets(%dma_start3A_93 : memref<128xi32, #tpu.memory_space<vmem>>) semaphore(%run_scoped3A_87 : memref<!tpu.dma_semaphore, #tpu.memory_space<semaphore_mem>>) {add = true}
        %dma_wait3A_96 = arith.constant 0 : i32
        %dma_wait3A_97 = tpu.memref_slice %arg10[%scan3A_14, %dma_wait3A_96] : memref<2x128xf32, #tpu.memory_space<vmem>> -> memref<1x128xf32, #tpu.memory_space<vmem>>
        %dma_wait3A_98 = tpu.memref_squeeze %dma_wait3A_97 : memref<1x128xf32, #tpu.memory_space<vmem>> -> memref<128xf32, #tpu.memory_space<vmem>>
        %dma_wait3A_99 = arith.constant 0 : i32
        %dma_wait3A_100 = tpu.memref_slice %arg9[%add3A_84, %dma_wait3A_99] : memref<80x128xi32, #tpu.memory_space<vmem>> -> memref<1x128xi32, #tpu.memory_space<vmem>>
        %dma_wait3A_101 = tpu.memref_squeeze %dma_wait3A_100 : memref<1x128xi32, #tpu.memory_space<vmem>> -> memref<128xi32, #tpu.memory_space<vmem>>
        %dma_wait3A_102 = arith.constant 0 : i32
        %dma_wait3A_103 = tpu.memref_slice %arg15[%dma_wait3A_102] : memref<5120xf32, #tpu.memory_space<vmem_shared>> -> memref<5120xf32, #tpu.memory_space<vmem_shared>>
        tpu.wait_indirect_dma semaphore(%run_scoped3A_87 : memref<!tpu.dma_semaphore, #tpu.memory_space<semaphore_mem>>) src(%dma_wait3A_98 : memref<128xf32, #tpu.memory_space<vmem>>) dst(%dma_wait3A_103 : memref<5120xf32, #tpu.memory_space<vmem_shared>>)
        tpu.yield
      }) : () -> ()
      %add3A_85 = arith.constant 1 : i32
      %add3A_86 = arith.addi %mul3A_35, %add3A_85 : i32
      "tpu.region"() ({
        %run_scoped3A_87 = tpu.sem_alloc : memref<!tpu.dma_semaphore, #tpu.memory_space<semaphore_mem>>
        %dma_start3A_88 = arith.constant 0 : i32
        %dma_start3A_89 = tpu.memref_slice %arg9[%add3A_86, %dma_start3A_88] : memref<80x128xi32, #tpu.memory_space<vmem>> -> memref<1x128xi32, #tpu.memory_space<vmem>>
        %dma_start3A_90 = tpu.memref_squeeze %dma_start3A_89 : memref<1x128xi32, #tpu.memory_space<vmem>> -> memref<128xi32, #tpu.memory_space<vmem>>
        %dma_start3A_91 = arith.constant 0 : i32
        %dma_start3A_92 = tpu.memref_slice %arg16[%dma_start3A_91] : memref<5120xf32, #tpu.memory_space<vmem_shared>> -> memref<5120xf32, #tpu.memory_space<vmem_shared>>
        tpu.enqueue_indirect_dma source(%arg11 : memref<128xf32, #tpu.memory_space<vmem>>) target(%dma_start3A_92 : memref<5120xf32, #tpu.memory_space<vmem_shared>>) offsets(%dma_start3A_90 : memref<128xi32, #tpu.memory_space<vmem>>) semaphore(%run_scoped3A_87 : memref<!tpu.dma_semaphore, #tpu.memory_space<semaphore_mem>>) {add = true}
        %dma_wait3A_93 = arith.constant 0 : i32
        %dma_wait3A_94 = tpu.memref_slice %arg9[%add3A_86, %dma_wait3A_93] : memref<80x128xi32, #tpu.memory_space<vmem>> -> memref<1x128xi32, #tpu.memory_space<vmem>>
        %dma_wait3A_95 = tpu.memref_squeeze %dma_wait3A_94 : memref<1x128xi32, #tpu.memory_space<vmem>> -> memref<128xi32, #tpu.memory_space<vmem>>
        %dma_wait3A_96 = arith.constant 0 : i32
        %dma_wait3A_97 = tpu.memref_slice %arg16[%dma_wait3A_96] : memref<5120xf32, #tpu.memory_space<vmem_shared>> -> memref<5120xf32, #tpu.memory_space<vmem_shared>>
        tpu.wait_indirect_dma semaphore(%run_scoped3A_87 : memref<!tpu.dma_semaphore, #tpu.memory_space<semaphore_mem>>) src(%arg11 : memref<128xf32, #tpu.memory_space<vmem>>) dst(%dma_wait3A_97 : memref<5120xf32, #tpu.memory_space<vmem_shared>>)
        tpu.yield
      }) : () -> ()
    }
    %scan3A_22 = arith.constant 40 : i32
    %barrier3A_23 = arith.constant 0 : index
    tpu.barrier barrier_id(%barrier3A_23)
    %mul3A = arith.constant 320 : i32
    %mul3A_24 = arith.muli %arg1, %mul3A : i32
    "tpu.region"() ({
      %run_scoped3A_33 = tpu.sem_alloc : memref<!tpu.dma_semaphore, #tpu.memory_space<semaphore_mem>>
      %dma_start3A_34 = tpu.memref_slice %arg15[%mul3A_24] : memref<5120xf32, #tpu.memory_space<vmem_shared>> -> memref<320xf32, #tpu.memory_space<vmem_shared>>
      %dma_start3A_35 = tpu.memref_slice %arg15[%mul3A_24] : memref<5120xf32, #tpu.memory_space<vmem_shared>> -> memref<320xf32, #tpu.memory_space<vmem_shared>>
      tpu.enqueue_dma source(%dma_start3A_35 : memref<320xf32, #tpu.memory_space<vmem_shared>>) target(%arg12 : memref<320xf32, #tpu.memory_space<vmem>>) target_semaphore(%run_scoped3A_33 : memref<!tpu.dma_semaphore, #tpu.memory_space<semaphore_mem>>)
      %dma_wait3A = tpu.memref_slice %arg15[%mul3A_24] : memref<5120xf32, #tpu.memory_space<vmem_shared>> -> memref<320xf32, #tpu.memory_space<vmem_shared>>
      %dma_wait3A_36 = tpu.memref_slice %arg15[%mul3A_24] : memref<5120xf32, #tpu.memory_space<vmem_shared>> -> memref<320xf32, #tpu.memory_space<vmem_shared>>
      tpu.wait_dma2 semaphore(%run_scoped3A_33 : memref<!tpu.dma_semaphore, #tpu.memory_space<semaphore_mem>>) src(%dma_wait3A_36 : memref<320xf32, #tpu.memory_space<vmem_shared>>) dst(%arg12 : memref<320xf32, #tpu.memory_space<vmem>>)
      tpu.yield
    }) : () -> ()
    "tpu.region"() ({
      %run_scoped3A_33 = tpu.sem_alloc : memref<!tpu.dma_semaphore, #tpu.memory_space<semaphore_mem>>
      %dma_start3A_34 = tpu.memref_slice %arg16[%mul3A_24] : memref<5120xf32, #tpu.memory_space<vmem_shared>> -> memref<320xf32, #tpu.memory_space<vmem_shared>>
      %dma_start3A_35 = tpu.memref_slice %arg16[%mul3A_24] : memref<5120xf32, #tpu.memory_space<vmem_shared>> -> memref<320xf32, #tpu.memory_space<vmem_shared>>
      tpu.enqueue_dma source(%dma_start3A_35 : memref<320xf32, #tpu.memory_space<vmem_shared>>) target(%arg13 : memref<320xf32, #tpu.memory_space<vmem>>) target_semaphore(%run_scoped3A_33 : memref<!tpu.dma_semaphore, #tpu.memory_space<semaphore_mem>>)
      %dma_wait3A = tpu.memref_slice %arg16[%mul3A_24] : memref<5120xf32, #tpu.memory_space<vmem_shared>> -> memref<320xf32, #tpu.memory_space<vmem_shared>>
      %dma_wait3A_36 = tpu.memref_slice %arg16[%mul3A_24] : memref<5120xf32, #tpu.memory_space<vmem_shared>> -> memref<320xf32, #tpu.memory_space<vmem_shared>>
      tpu.wait_dma2 semaphore(%run_scoped3A_33 : memref<!tpu.dma_semaphore, #tpu.memory_space<semaphore_mem>>) src(%dma_wait3A_36 : memref<320xf32, #tpu.memory_space<vmem_shared>>) dst(%arg13 : memref<320xf32, #tpu.memory_space<vmem>>)
      tpu.yield
    }) : () -> ()
    %scan3A_25 = arith.constant 0 : i32
    %scan3A_26 = arith.constant 0 : i32
    %scan3A_27 = arith.constant 20 : i32
    %scan3A_28 = arith.addi %scan3A_26, %scan3A_27 : i32
    %scan3A_29 = arith.constant 1 : i32
    scf.for %scan3A_33 = %scan3A_26 to %scan3A_28 step %scan3A_29  : i32 {
      %mul3A_34 = arith.constant 16 : i32
      %mul3A_35 = arith.muli %scan3A_33, %mul3A_34 : i32
      %get3A = arith.index_cast %mul3A_35 : i32 to index
      %get3A_36 = tpu.vector_load %arg12[%get3A] {strides = array<i32>} : memref<320xf32, #tpu.memory_space<vmem>>, vector<16xf32>,
      %get3A_37 = vector.shape_cast %get3A_36 : vector<16xf32> to vector<16xf32>
      %get3A_38 = arith.index_cast %mul3A_35 : i32 to index
      %get3A_39 = tpu.vector_load %arg13[%get3A_38] {strides = array<i32>} : memref<320xf32, #tpu.memory_space<vmem>>, vector<16xf32>,
      %get3A_40 = vector.shape_cast %get3A_39 : vector<16xf32> to vector<16xf32>
      %gt3A = arith.constant 0.000000e+00 : f32
      %gt3A_41 = vector.broadcast %gt3A : f32 to vector<16xf32>
      %gt3A_42 = arith.cmpf ogt, %get3A_40, %gt3A_41 : vector<16xf32>
      %max3A = arith.constant 1.000000e+00 : f32
      %max3A_43 = vector.broadcast %max3A : f32 to vector<16xf32>
      %max3A_44 = arith.maximumf %get3A_40, %max3A_43 : vector<16xf32>
      %div3A = arith.divf %get3A_37, %max3A_44 : vector<16xf32>
      %jit3A = arith.constant 0.000000e+00 : f32
      %broadcast_in_dim3A = vector.broadcast %jit3A : f32 to vector<16xf32>
      %select_n3A = arith.select %gt3A_42, %div3A, %broadcast_in_dim3A : vector<16xi1>, vector<16xf32>
      %swap3A = arith.index_cast %mul3A_35 : i32 to index
      %swap3A_45 = tpu.vector_load %arg14[%swap3A] {strides = array<i32>} : memref<320xf32, #tpu.memory_space<vmem>>, vector<16xf32>,
      %swap3A_46 = vector.shape_cast %swap3A_45 : vector<16xf32> to vector<16xf32>
      %swap3A_47 = vector.shape_cast %select_n3A : vector<16xf32> to vector<16xf32>
      tpu.vector_store %arg14[%swap3A], %swap3A_47 {strides = array<i32>} : memref<320xf32, #tpu.memory_space<vmem>>, vector<16xf32>,
    }
    %scan3A_30 = arith.constant 20 : i32
    %mul3A_31 = arith.constant 5120 : i32
    %mul3A_32 = arith.muli %arg0, %mul3A_31 : i32
    %add3A = arith.addi %mul3A_32, %mul3A_24 : i32
    "tpu.region"() ({
      %run_scoped3A_33 = tpu.sem_alloc : memref<!tpu.dma_semaphore, #tpu.memory_space<semaphore_mem>>
      %dma_start3A_34 = tpu.memref_slice %arg7[%add3A] : memref<10240xf32, #tpu.memory_space<hbm>> -> memref<320xf32, #tpu.memory_space<hbm>>
      %dma_start3A_35 = tpu.memref_slice %arg7[%add3A] : memref<10240xf32, #tpu.memory_space<hbm>> -> memref<320xf32, #tpu.memory_space<hbm>>
      tpu.enqueue_dma source(%arg14 : memref<320xf32, #tpu.memory_space<vmem>>) target(%dma_start3A_35 : memref<320xf32, #tpu.memory_space<hbm>>) target_semaphore(%run_scoped3A_33 : memref<!tpu.dma_semaphore, #tpu.memory_space<semaphore_mem>>)
      %dma_wait3A = tpu.memref_slice %arg7[%add3A] : memref<10240xf32, #tpu.memory_space<hbm>> -> memref<320xf32, #tpu.memory_space<hbm>>
      %dma_wait3A_36 = tpu.memref_slice %arg7[%add3A] : memref<10240xf32, #tpu.memory_space<hbm>> -> memref<320xf32, #tpu.memory_space<hbm>>
      tpu.wait_dma2 semaphore(%run_scoped3A_33 : memref<!tpu.dma_semaphore, #tpu.memory_space<semaphore_mem>>) src(%arg14 : memref<320xf32, #tpu.memory_space<vmem>>) dst(%dma_wait3A_36 : memref<320xf32, #tpu.memory_space<hbm>>)
      tpu.yield
    }) : () -> ()
    return
  }
}

module attributes {stable_mosaic.version = 14 : i64} {
  func.func @_attn_body(%arg0: memref<5000x128xf32, #tpu.memory_space<vmem>>, %arg1: memref<5000x128xf32, #tpu.memory_space<vmem>>, %arg2: memref<2x384x128xf32, #tpu.memory_space<vmem>>, %arg3: memref<2x1x384xf32, #tpu.memory_space<vmem>>, %arg4: memref<2x1x128xf32, #tpu.memory_space<vmem>>, %arg5: memref<2x1x1xf32, #tpu.memory_space<vmem>>, %arg6: memref<5000x1xf32, #tpu.memory_space<vmem>>, %arg7: memref<5000x1xf32, #tpu.memory_space<vmem>>, %arg8: memref<5120x128xf32, #tpu.memory_space<vmem>>, %arg9: memref<5120x2xbf16, #tpu.memory_space<vmem>>) attributes {dimension_semantics = [], scalar_prefetch = 0 : i64, scratch_operands = 2 : i64, tpu.core_type = #tpu.core_type<tc>} {
    %get3A = arith.constant 0 : index
    %get3A_0 = arith.constant 0 : index
    %get3A_1 = vector.load %arg0[%get3A, %get3A_0] : memref<5000x128xf32, #tpu.memory_space<vmem>>, vector<5000x128xf32>
    %get3A_2 = arith.constant 0 : i32
    %get3A_3 = arith.constant 0 : i32
    %get3A_4 = arith.constant 0 : i32
    %get3A_5 = tpu.memref_slice %arg2[%get3A_2, %get3A_3, %get3A_4] : memref<2x384x128xf32, #tpu.memory_space<vmem>> -> memref<1x384x128xf32, #tpu.memory_space<vmem>>
    %get3A_6 = arith.constant 0 : index
    %get3A_7 = arith.constant 128 : index
    %get3A_8 = arith.constant 0 : index
    %get3A_9 = vector.load %get3A_5[%get3A_6, %get3A_7, %get3A_8] : memref<1x384x128xf32, #tpu.memory_space<vmem>>, vector<1x128x128xf32>
    %get3A_10 = vector.shape_cast %get3A_9 : vector<1x128x128xf32> to vector<128x128xf32>
    %get3A_11 = arith.constant 0 : i32
    %get3A_12 = arith.constant 0 : i32
    %get3A_13 = arith.constant 0 : i32
    %get3A_14 = tpu.memref_slice %arg3[%get3A_11, %get3A_12, %get3A_13] : memref<2x1x384xf32, #tpu.memory_space<vmem>> -> memref<1x1x384xf32, #tpu.memory_space<vmem>>
    %get3A_15 = arith.constant 0 : index
    %get3A_16 = arith.constant 0 : index
    %get3A_17 = arith.constant 128 : index
    %get3A_18 = vector.load %get3A_14[%get3A_15, %get3A_16, %get3A_17] : memref<1x1x384xf32, #tpu.memory_space<vmem>>, vector<1x1x128xf32>
    %get3A_19 = vector.shape_cast %get3A_18 : vector<1x1x128xf32> to vector<1x128xf32>
    %dot_general3A = arith.constant dense<0.000000e+00> : vector<5000x128xf32>
    %dot_general3A_20 = tpu.matmul %get3A_1, %get3A_10, %dot_general3A {dimension_numbers = #tpu.dot_dimension_numbers<[1], [1], [0], [0], [0, 0, 1, 0], [], []>, transpose_lhs_hint = false} : vector<5000x128xf32>, vector<128x128xf32>, vector<5000x128xf32> -> vector<5000x128xf32>
    %add3A = vector.broadcast %get3A_19 : vector<1x128xf32> to vector<5000x128xf32>
    %add3A_21 = arith.addf %dot_general3A_20, %add3A : vector<5000x128xf32>
    %swap3A = arith.constant 0 : index
    %swap3A_22 = arith.constant 0 : index
    %swap3A_23 = vector.load %arg8[%swap3A, %swap3A_22] : memref<5120x128xf32, #tpu.memory_space<vmem>>, vector<5000x128xf32>
    tpu.vector_store %arg8[%swap3A, %swap3A_22], %add3A_21 {strides = array<i32>} : memref<5120x128xf32, #tpu.memory_space<vmem>>, vector<5000x128xf32>,
    %broadcast_in_dim3A = arith.constant 0.000000e+00 : f32
    %broadcast_in_dim3A_24 = vector.broadcast %broadcast_in_dim3A : f32 to vector<120x128xf32>
    %swap3A_25 = arith.constant 5000 : index
    %swap3A_26 = arith.constant 0 : index
    %swap3A_27 = vector.load %arg8[%swap3A_25, %swap3A_26] : memref<5120x128xf32, #tpu.memory_space<vmem>>, vector<120x128xf32>
    tpu.vector_store %arg8[%swap3A_25, %swap3A_26], %broadcast_in_dim3A_24 {strides = array<i32>} : memref<5120x128xf32, #tpu.memory_space<vmem>>, vector<120x128xf32>,
    %get3A_28 = arith.constant 0 : i32
    %get3A_29 = arith.constant 0 : i32
    %get3A_30 = arith.constant 0 : i32
    %get3A_31 = tpu.memref_slice %arg2[%get3A_28, %get3A_29, %get3A_30] : memref<2x384x128xf32, #tpu.memory_space<vmem>> -> memref<1x384x128xf32, #tpu.memory_space<vmem>>
    %get3A_32 = arith.constant 0 : index
    %get3A_33 = arith.constant 256 : index
    %get3A_34 = arith.constant 0 : index
    %get3A_35 = vector.load %get3A_31[%get3A_32, %get3A_33, %get3A_34] : memref<1x384x128xf32, #tpu.memory_space<vmem>>, vector<1x128x128xf32>
    %get3A_36 = vector.shape_cast %get3A_35 : vector<1x128x128xf32> to vector<128x128xf32>
    %get3A_37 = arith.constant 0 : i32
    %get3A_38 = arith.constant 0 : i32
    %get3A_39 = arith.constant 0 : i32
    %get3A_40 = tpu.memref_slice %arg3[%get3A_37, %get3A_38, %get3A_39] : memref<2x1x384xf32, #tpu.memory_space<vmem>> -> memref<1x1x384xf32, #tpu.memory_space<vmem>>
    %get3A_41 = arith.constant 0 : index
    %get3A_42 = arith.constant 0 : index
    %get3A_43 = arith.constant 256 : index
    %get3A_44 = vector.load %get3A_40[%get3A_41, %get3A_42, %get3A_43] : memref<1x1x384xf32, #tpu.memory_space<vmem>>, vector<1x1x128xf32>
    %get3A_45 = vector.shape_cast %get3A_44 : vector<1x1x128xf32> to vector<1x128xf32>
    %get3A_46 = arith.constant 0 : i32
    %get3A_47 = arith.constant 0 : i32
    %get3A_48 = arith.constant 0 : i32
    %get3A_49 = tpu.memref_slice %arg4[%get3A_46, %get3A_47, %get3A_48] : memref<2x1x128xf32, #tpu.memory_space<vmem>> -> memref<1x1x128xf32, #tpu.memory_space<vmem>>
    %get3A_50 = arith.constant 0 : index
    %get3A_51 = arith.constant 0 : index
    %get3A_52 = arith.constant 0 : index
    %get3A_53 = vector.load %get3A_49[%get3A_50, %get3A_51, %get3A_52] : memref<1x1x128xf32, #tpu.memory_space<vmem>>, vector<1x1x128xf32>
    %get3A_54 = vector.shape_cast %get3A_53 : vector<1x1x128xf32> to vector<1x128xf32>
    %dot_general3A_55 = arith.constant dense<0.000000e+00> : vector<1x128xf32>
    %dot_general3A_56 = tpu.matmul %get3A_54, %get3A_36, %dot_general3A_55 {dimension_numbers = #tpu.dot_dimension_numbers<[1], [0], [0], [1], [0, 0, 1, 1], [], []>, transpose_lhs_hint = false} : vector<1x128xf32>, vector<128x128xf32>, vector<1x128xf32> -> vector<1x128xf32>
    %mul3A = arith.mulf %get3A_45, %get3A_54 : vector<1x128xf32>
    %reduce_sum3A = vector.shape_cast %mul3A : vector<1x128xf32> to vector<1x1x128xf32>
    %reduce_sum3A_57 = arith.constant dense<0.000000e+00> : vector<1xf32>
    %reduce_sum3A_58 = vector.multi_reduction <add>, %reduce_sum3A, %reduce_sum3A_57 [1, 2] : vector<1x1x128xf32> to vector<1xf32>
    %reduce_sum3A_59 = vector.shape_cast %reduce_sum3A_58 : vector<1xf32> to vector<1x1x1xf32>
    %reduce_sum3A_60 = vector.extract %reduce_sum3A_59[0, 0, 0] : f32 from vector<1x1x1xf32>
    %mul3A_61 = vector.broadcast %dot_general3A_56 : vector<1x128xf32> to vector<5000x128xf32>
    %mul3A_62 = arith.mulf %get3A_1, %mul3A_61 : vector<5000x128xf32>
    %reduce_sum3A_63 = arith.constant dense<0.000000e+00> : vector<5000xf32>
    %reduce_sum3A_64 = vector.multi_reduction <add>, %mul3A_62, %reduce_sum3A_63 [1] : vector<5000x128xf32> to vector<5000xf32>
    %broadcast_in_dim3A_65 = vector.shape_cast %reduce_sum3A_64 : vector<5000xf32> to vector<5000x1xf32>
    %broadcast_in_dim3A_66 = arith.constant 1.000000e+00 : f32
    %broadcast_in_dim3A_67 = vector.broadcast %broadcast_in_dim3A_66 : f32 to vector<5000x1xf32>
    %add3A_68 = vector.broadcast %reduce_sum3A_60 : f32 to vector<5000x1xf32>
    %add3A_69 = arith.addf %broadcast_in_dim3A_65, %add3A_68 : vector<5000x1xf32>
    %concatenate3A = tpu.concatenate %broadcast_in_dim3A_67, %add3A_69 in 1 : vector<5000x1xf32>, vector<5000x1xf32> -> vector<5000x2xf32>
    %convert_element_type3A = arith.truncf %concatenate3A : vector<5000x2xf32> to vector<5000x2xbf16>
    %swap3A_70 = arith.constant 0 : index
    %swap3A_71 = arith.constant 0 : index
    %swap3A_72 = vector.load %arg9[%swap3A_70, %swap3A_71] : memref<5120x2xbf16, #tpu.memory_space<vmem>>, vector<5000x2xbf16>
    tpu.vector_store %arg9[%swap3A_70, %swap3A_71], %convert_element_type3A {strides = array<i32>} : memref<5120x2xbf16, #tpu.memory_space<vmem>>, vector<5000x2xbf16>,
    %broadcast_in_dim3A_73 = arith.constant 0.000000e+00 : bf16
    %broadcast_in_dim3A_74 = vector.broadcast %broadcast_in_dim3A_73 : bf16 to vector<120x2xbf16>
    %swap3A_75 = arith.constant 5000 : index
    %swap3A_76 = arith.constant 0 : index
    %swap3A_77 = vector.load %arg9[%swap3A_75, %swap3A_76] : memref<5120x2xbf16, #tpu.memory_space<vmem>>, vector<120x2xbf16>
    tpu.vector_store %arg9[%swap3A_75, %swap3A_76], %broadcast_in_dim3A_74 {strides = array<i32>} : memref<5120x2xbf16, #tpu.memory_space<vmem>>, vector<120x2xbf16>,
    %get3A_78 = arith.constant 0 : i32
    %get3A_79 = arith.constant 0 : i32
    %get3A_80 = arith.constant 0 : i32
    %get3A_81 = tpu.memref_slice %arg2[%get3A_78, %get3A_79, %get3A_80] : memref<2x384x128xf32, #tpu.memory_space<vmem>> -> memref<1x384x128xf32, #tpu.memory_space<vmem>>
    %get3A_82 = arith.constant 0 : index
    %get3A_83 = arith.constant 0 : index
    %get3A_84 = arith.constant 0 : index
    %get3A_85 = vector.load %get3A_81[%get3A_82, %get3A_83, %get3A_84] : memref<1x384x128xf32, #tpu.memory_space<vmem>>, vector<1x128x128xf32>
    %get3A_86 = vector.shape_cast %get3A_85 : vector<1x128x128xf32> to vector<128x128xf32>
    %get3A_87 = arith.constant 0 : i32
    %get3A_88 = arith.constant 0 : i32
    %get3A_89 = arith.constant 0 : i32
    %get3A_90 = tpu.memref_slice %arg3[%get3A_87, %get3A_88, %get3A_89] : memref<2x1x384xf32, #tpu.memory_space<vmem>> -> memref<1x1x384xf32, #tpu.memory_space<vmem>>
    %get3A_91 = arith.constant 0 : index
    %get3A_92 = arith.constant 0 : index
    %get3A_93 = arith.constant 0 : index
    %get3A_94 = vector.load %get3A_90[%get3A_91, %get3A_92, %get3A_93] : memref<1x1x384xf32, #tpu.memory_space<vmem>>, vector<1x1x128xf32>
    %get3A_95 = vector.shape_cast %get3A_94 : vector<1x1x128xf32> to vector<1x128xf32>
    %sqrt3A = arith.constant 1.280000e+02 : f32
    %sqrt3A_96 = math.sqrt %sqrt3A : f32
    %div3A = arith.constant 1.000000e+00 : f32
    %div3A_97 = arith.divf %div3A, %sqrt3A_96 : f32
    %scan3A = arith.constant 0 : i32
    %scan3A_98 = arith.constant 3 : i32
    %scan3A_99 = arith.addi %scan3A, %scan3A_98 : i32
    %scan3A_100 = arith.constant 1 : i32
    scf.for %scan3A_294 = %scan3A to %scan3A_99 step %scan3A_100  : i32 {
      %mul3A_295 = arith.constant 1280 : i32
      %mul3A_296 = arith.muli %scan3A_294, %mul3A_295 : i32
      %get3A_297 = arith.index_cast %mul3A_296 : i32 to index
      %get3A_298 = arith.constant 0 : index
      %get3A_299 = vector.load %arg0[%get3A_297, %get3A_298] : memref<5000x128xf32, #tpu.memory_space<vmem>>, vector<1280x128xf32>
      %dot_general3A_300 = arith.constant dense<0.000000e+00> : vector<1280x128xf32>
      %dot_general3A_301 = tpu.matmul %get3A_299, %get3A_86, %dot_general3A_300 {dimension_numbers = #tpu.dot_dimension_numbers<[1], [1], [0], [0], [0, 0, 1, 0], [], []>, transpose_lhs_hint = false} : vector<1280x128xf32>, vector<128x128xf32>, vector<1280x128xf32> -> vector<1280x128xf32>
      %add3A_302 = vector.broadcast %get3A_95 : vector<1x128xf32> to vector<1280x128xf32>
      %add3A_303 = arith.addf %dot_general3A_301, %add3A_302 : vector<1280x128xf32>
      %mul3A_304 = vector.broadcast %div3A_97 : f32 to vector<1280x128xf32>
      %mul3A_305 = arith.mulf %add3A_303, %mul3A_304 : vector<1280x128xf32>
      %convert_element_type3A_306 = arith.truncf %mul3A_305 : vector<1280x128xf32> to vector<1280x128xbf16>
      %get3A_307 = arith.constant 0 : index
      %get3A_308 = arith.constant 0 : index
      %get3A_309 = vector.load %arg8[%get3A_307, %get3A_308] : memref<5120x128xf32, #tpu.memory_space<vmem>>, vector<5120x128xf32>
      %convert_element_type3A_310 = arith.truncf %get3A_309 : vector<5120x128xf32> to vector<5120x128xbf16>
      %dot_general3A_311 = arith.constant dense<0.000000e+00> : vector<1280x5120xf32>
      %dot_general3A_312 = tpu.matmul %convert_element_type3A_306, %convert_element_type3A_310, %dot_general3A_311 {dimension_numbers = #tpu.dot_dimension_numbers<[1], [1], [0], [0], [0, 0, 1, 0], [], []>, transpose_lhs_hint = false} : vector<1280x128xbf16>, vector<5120x128xbf16>, vector<1280x5120xf32> -> vector<1280x5120xf32>
      %convert_element_type3A_313 = arith.truncf %dot_general3A_312 : vector<1280x5120xf32> to vector<1280x5120xbf16>
      %exp3A_314 = math.exp %convert_element_type3A_313 : vector<1280x5120xbf16>
      %get3A_315 = arith.constant 0 : index
      %get3A_316 = arith.constant 0 : index
      %get3A_317 = vector.load %arg9[%get3A_315, %get3A_316] : memref<5120x2xbf16, #tpu.memory_space<vmem>>, vector<5120x2xbf16>
      %dot_general3A_318 = arith.constant dense<0.000000e+00> : vector<1280x2xf32>
      %dot_general3A_319 = tpu.matmul %exp3A_314, %get3A_317, %dot_general3A_318 {dimension_numbers = #tpu.dot_dimension_numbers<[1], [0], [0], [1], [0, 0, 1, 1], [], []>, transpose_lhs_hint = false} : vector<1280x5120xbf16>, vector<5120x2xbf16>, vector<1280x2xf32> -> vector<1280x2xf32>
      %slice3A_320 = vector.extract_strided_slice %dot_general3A_319 {offsets = [0, 1], sizes = [1280, 1], strides = [1, 1]} : vector<1280x2xf32> to vector<1280x1xf32>
      %slice3A_321 = vector.extract_strided_slice %dot_general3A_319 {offsets = [0, 0], sizes = [1280, 1], strides = [1, 1]} : vector<1280x2xf32> to vector<1280x1xf32>
      %div3A_322 = arith.divf %slice3A_320, %slice3A_321 : vector<1280x1xf32>
      %get3A_323 = arith.constant 0 : i32
      %get3A_324 = arith.constant 0 : i32
      %get3A_325 = arith.constant 0 : i32
      %get3A_326 = tpu.memref_slice %arg5[%get3A_323, %get3A_324, %get3A_325] : memref<2x1x1xf32, #tpu.memory_space<vmem>> -> memref<1x1x1xf32, #tpu.memory_space<vmem>>
      %get3A_327 = arith.constant 0 : index
      %get3A_328 = arith.constant 0 : index
      %get3A_329 = arith.constant 0 : index
      %get3A_330 = vector.load %get3A_326[%get3A_327, %get3A_328, %get3A_329] : memref<1x1x1xf32, #tpu.memory_space<vmem>>, vector<1x1x1xf32>
      %get3A_331 = vector.shape_cast %get3A_330 : vector<1x1x1xf32> to vector<1x1xf32>
      %add3A_332 = vector.broadcast %get3A_331 : vector<1x1xf32> to vector<1280x1xf32>
      %add3A_333 = arith.addf %div3A_322, %add3A_332 : vector<1280x1xf32>
      %mul3A_334 = arith.constant 1280 : i32
      %mul3A_335 = arith.muli %scan3A_294, %mul3A_334 : i32
      %swap3A_336 = arith.index_cast %mul3A_335 : i32 to index
      %swap3A_337 = arith.constant 0 : index
      %swap3A_338 = vector.load %arg6[%swap3A_336, %swap3A_337] : memref<5000x1xf32, #tpu.memory_space<vmem>>, vector<1280x1xf32>
      tpu.vector_store %arg6[%swap3A_336, %swap3A_337], %add3A_333 {strides = array<i32>} : memref<5000x1xf32, #tpu.memory_space<vmem>>, vector<1280x1xf32>,
    }
    %scan3A_101 = arith.constant 3 : i32
    %get3A_102 = arith.constant 3720 : index
    %get3A_103 = arith.constant 0 : index
    %get3A_104 = vector.load %arg0[%get3A_102, %get3A_103] : memref<5000x128xf32, #tpu.memory_space<vmem>>, vector<1280x128xf32>
    %dot_general3A_105 = arith.constant dense<0.000000e+00> : vector<1280x128xf32>
    %dot_general3A_106 = tpu.matmul %get3A_104, %get3A_86, %dot_general3A_105 {dimension_numbers = #tpu.dot_dimension_numbers<[1], [1], [0], [0], [0, 0, 1, 0], [], []>, transpose_lhs_hint = false} : vector<1280x128xf32>, vector<128x128xf32>, vector<1280x128xf32> -> vector<1280x128xf32>
    %add3A_107 = vector.broadcast %get3A_95 : vector<1x128xf32> to vector<1280x128xf32>
    %add3A_108 = arith.addf %dot_general3A_106, %add3A_107 : vector<1280x128xf32>
    %mul3A_109 = vector.broadcast %div3A_97 : f32 to vector<1280x128xf32>
    %mul3A_110 = arith.mulf %add3A_108, %mul3A_109 : vector<1280x128xf32>
    %convert_element_type3A_111 = arith.truncf %mul3A_110 : vector<1280x128xf32> to vector<1280x128xbf16>
    %get3A_112 = arith.constant 0 : index
    %get3A_113 = arith.constant 0 : index
    %get3A_114 = vector.load %arg8[%get3A_112, %get3A_113] : memref<5120x128xf32, #tpu.memory_space<vmem>>, vector<5120x128xf32>
    %convert_element_type3A_115 = arith.truncf %get3A_114 : vector<5120x128xf32> to vector<5120x128xbf16>
    %dot_general3A_116 = arith.constant dense<0.000000e+00> : vector<1280x5120xf32>
    %dot_general3A_117 = tpu.matmul %convert_element_type3A_111, %convert_element_type3A_115, %dot_general3A_116 {dimension_numbers = #tpu.dot_dimension_numbers<[1], [1], [0], [0], [0, 0, 1, 0], [], []>, transpose_lhs_hint = false} : vector<1280x128xbf16>, vector<5120x128xbf16>, vector<1280x5120xf32> -> vector<1280x5120xf32>
    %convert_element_type3A_118 = arith.truncf %dot_general3A_117 : vector<1280x5120xf32> to vector<1280x5120xbf16>
    %exp3A = math.exp %convert_element_type3A_118 : vector<1280x5120xbf16>
    %get3A_119 = arith.constant 0 : index
    %get3A_120 = arith.constant 0 : index
    %get3A_121 = vector.load %arg9[%get3A_119, %get3A_120] : memref<5120x2xbf16, #tpu.memory_space<vmem>>, vector<5120x2xbf16>
    %dot_general3A_122 = arith.constant dense<0.000000e+00> : vector<1280x2xf32>
    %dot_general3A_123 = tpu.matmul %exp3A, %get3A_121, %dot_general3A_122 {dimension_numbers = #tpu.dot_dimension_numbers<[1], [0], [0], [1], [0, 0, 1, 1], [], []>, transpose_lhs_hint = false} : vector<1280x5120xbf16>, vector<5120x2xbf16>, vector<1280x2xf32> -> vector<1280x2xf32>
    %slice3A = vector.extract_strided_slice %dot_general3A_123 {offsets = [0, 1], sizes = [1280, 1], strides = [1, 1]} : vector<1280x2xf32> to vector<1280x1xf32>
    %slice3A_124 = vector.extract_strided_slice %dot_general3A_123 {offsets = [0, 0], sizes = [1280, 1], strides = [1, 1]} : vector<1280x2xf32> to vector<1280x1xf32>
    %div3A_125 = arith.divf %slice3A, %slice3A_124 : vector<1280x1xf32>
    %get3A_126 = arith.constant 0 : i32
    %get3A_127 = arith.constant 0 : i32
    %get3A_128 = arith.constant 0 : i32
    %get3A_129 = tpu.memref_slice %arg5[%get3A_126, %get3A_127, %get3A_128] : memref<2x1x1xf32, #tpu.memory_space<vmem>> -> memref<1x1x1xf32, #tpu.memory_space<vmem>>
    %get3A_130 = arith.constant 0 : index
    %get3A_131 = arith.constant 0 : index
    %get3A_132 = arith.constant 0 : index
    %get3A_133 = vector.load %get3A_129[%get3A_130, %get3A_131, %get3A_132] : memref<1x1x1xf32, #tpu.memory_space<vmem>>, vector<1x1x1xf32>
    %get3A_134 = vector.shape_cast %get3A_133 : vector<1x1x1xf32> to vector<1x1xf32>
    %add3A_135 = vector.broadcast %get3A_134 : vector<1x1xf32> to vector<1280x1xf32>
    %add3A_136 = arith.addf %div3A_125, %add3A_135 : vector<1280x1xf32>
    %swap3A_137 = arith.constant 3720 : index
    %swap3A_138 = arith.constant 0 : index
    %swap3A_139 = vector.load %arg6[%swap3A_137, %swap3A_138] : memref<5000x1xf32, #tpu.memory_space<vmem>>, vector<1280x1xf32>
    tpu.vector_store %arg6[%swap3A_137, %swap3A_138], %add3A_136 {strides = array<i32>} : memref<5000x1xf32, #tpu.memory_space<vmem>>, vector<1280x1xf32>,
    %get3A_140 = arith.constant 0 : index
    %get3A_141 = arith.constant 0 : index
    %get3A_142 = vector.load %arg1[%get3A_140, %get3A_141] : memref<5000x128xf32, #tpu.memory_space<vmem>>, vector<5000x128xf32>
    %get3A_143 = arith.constant 1 : i32
    %get3A_144 = arith.constant 0 : i32
    %get3A_145 = arith.constant 0 : i32
    %get3A_146 = tpu.memref_slice %arg2[%get3A_143, %get3A_144, %get3A_145] : memref<2x384x128xf32, #tpu.memory_space<vmem>> -> memref<1x384x128xf32, #tpu.memory_space<vmem>>
    %get3A_147 = arith.constant 0 : index
    %get3A_148 = arith.constant 128 : index
    %get3A_149 = arith.constant 0 : index
    %get3A_150 = vector.load %get3A_146[%get3A_147, %get3A_148, %get3A_149] : memref<1x384x128xf32, #tpu.memory_space<vmem>>, vector<1x128x128xf32>
    %get3A_151 = vector.shape_cast %get3A_150 : vector<1x128x128xf32> to vector<128x128xf32>
    %get3A_152 = arith.constant 1 : i32
    %get3A_153 = arith.constant 0 : i32
    %get3A_154 = arith.constant 0 : i32
    %get3A_155 = tpu.memref_slice %arg3[%get3A_152, %get3A_153, %get3A_154] : memref<2x1x384xf32, #tpu.memory_space<vmem>> -> memref<1x1x384xf32, #tpu.memory_space<vmem>>
    %get3A_156 = arith.constant 0 : index
    %get3A_157 = arith.constant 0 : index
    %get3A_158 = arith.constant 128 : index
    %get3A_159 = vector.load %get3A_155[%get3A_156, %get3A_157, %get3A_158] : memref<1x1x384xf32, #tpu.memory_space<vmem>>, vector<1x1x128xf32>
    %get3A_160 = vector.shape_cast %get3A_159 : vector<1x1x128xf32> to vector<1x128xf32>
    %dot_general3A_161 = arith.constant dense<0.000000e+00> : vector<5000x128xf32>
    %dot_general3A_162 = tpu.matmul %get3A_142, %get3A_151, %dot_general3A_161 {dimension_numbers = #tpu.dot_dimension_numbers<[1], [1], [0], [0], [0, 0, 1, 0], [], []>, transpose_lhs_hint = false} : vector<5000x128xf32>, vector<128x128xf32>, vector<5000x128xf32> -> vector<5000x128xf32>
    %add3A_163 = vector.broadcast %get3A_160 : vector<1x128xf32> to vector<5000x128xf32>
    %add3A_164 = arith.addf %dot_general3A_162, %add3A_163 : vector<5000x128xf32>
    %swap3A_165 = arith.constant 0 : index
    %swap3A_166 = arith.constant 0 : index
    %swap3A_167 = vector.load %arg8[%swap3A_165, %swap3A_166] : memref<5120x128xf32, #tpu.memory_space<vmem>>, vector<5000x128xf32>
    tpu.vector_store %arg8[%swap3A_165, %swap3A_166], %add3A_164 {strides = array<i32>} : memref<5120x128xf32, #tpu.memory_space<vmem>>, vector<5000x128xf32>,
    %broadcast_in_dim3A_168 = arith.constant 0.000000e+00 : f32
    %broadcast_in_dim3A_169 = vector.broadcast %broadcast_in_dim3A_168 : f32 to vector<120x128xf32>
    %swap3A_170 = arith.constant 5000 : index
    %swap3A_171 = arith.constant 0 : index
    %swap3A_172 = vector.load %arg8[%swap3A_170, %swap3A_171] : memref<5120x128xf32, #tpu.memory_space<vmem>>, vector<120x128xf32>
    tpu.vector_store %arg8[%swap3A_170, %swap3A_171], %broadcast_in_dim3A_169 {strides = array<i32>} : memref<5120x128xf32, #tpu.memory_space<vmem>>, vector<120x128xf32>,
    %get3A_173 = arith.constant 1 : i32
    %get3A_174 = arith.constant 0 : i32
    %get3A_175 = arith.constant 0 : i32
    %get3A_176 = tpu.memref_slice %arg2[%get3A_173, %get3A_174, %get3A_175] : memref<2x384x128xf32, #tpu.memory_space<vmem>> -> memref<1x384x128xf32, #tpu.memory_space<vmem>>
    %get3A_177 = arith.constant 0 : index
    %get3A_178 = arith.constant 256 : index
    %get3A_179 = arith.constant 0 : index
    %get3A_180 = vector.load %get3A_176[%get3A_177, %get3A_178, %get3A_179] : memref<1x384x128xf32, #tpu.memory_space<vmem>>, vector<1x128x128xf32>
    %get3A_181 = vector.shape_cast %get3A_180 : vector<1x128x128xf32> to vector<128x128xf32>
    %get3A_182 = arith.constant 1 : i32
    %get3A_183 = arith.constant 0 : i32
    %get3A_184 = arith.constant 0 : i32
    %get3A_185 = tpu.memref_slice %arg3[%get3A_182, %get3A_183, %get3A_184] : memref<2x1x384xf32, #tpu.memory_space<vmem>> -> memref<1x1x384xf32, #tpu.memory_space<vmem>>
    %get3A_186 = arith.constant 0 : index
    %get3A_187 = arith.constant 0 : index
    %get3A_188 = arith.constant 256 : index
    %get3A_189 = vector.load %get3A_185[%get3A_186, %get3A_187, %get3A_188] : memref<1x1x384xf32, #tpu.memory_space<vmem>>, vector<1x1x128xf32>
    %get3A_190 = vector.shape_cast %get3A_189 : vector<1x1x128xf32> to vector<1x128xf32>
    %get3A_191 = arith.constant 1 : i32
    %get3A_192 = arith.constant 0 : i32
    %get3A_193 = arith.constant 0 : i32
    %get3A_194 = tpu.memref_slice %arg4[%get3A_191, %get3A_192, %get3A_193] : memref<2x1x128xf32, #tpu.memory_space<vmem>> -> memref<1x1x128xf32, #tpu.memory_space<vmem>>
    %get3A_195 = arith.constant 0 : index
    %get3A_196 = arith.constant 0 : index
    %get3A_197 = arith.constant 0 : index
    %get3A_198 = vector.load %get3A_194[%get3A_195, %get3A_196, %get3A_197] : memref<1x1x128xf32, #tpu.memory_space<vmem>>, vector<1x1x128xf32>
    %get3A_199 = vector.shape_cast %get3A_198 : vector<1x1x128xf32> to vector<1x128xf32>
    %dot_general3A_200 = arith.constant dense<0.000000e+00> : vector<1x128xf32>
    %dot_general3A_201 = tpu.matmul %get3A_199, %get3A_181, %dot_general3A_200 {dimension_numbers = #tpu.dot_dimension_numbers<[1], [0], [0], [1], [0, 0, 1, 1], [], []>, transpose_lhs_hint = false} : vector<1x128xf32>, vector<128x128xf32>, vector<1x128xf32> -> vector<1x128xf32>
    %mul3A_202 = arith.mulf %get3A_190, %get3A_199 : vector<1x128xf32>
    %reduce_sum3A_203 = vector.shape_cast %mul3A_202 : vector<1x128xf32> to vector<1x1x128xf32>
    %reduce_sum3A_204 = arith.constant dense<0.000000e+00> : vector<1xf32>
    %reduce_sum3A_205 = vector.multi_reduction <add>, %reduce_sum3A_203, %reduce_sum3A_204 [1, 2] : vector<1x1x128xf32> to vector<1xf32>
    %reduce_sum3A_206 = vector.shape_cast %reduce_sum3A_205 : vector<1xf32> to vector<1x1x1xf32>
    %reduce_sum3A_207 = vector.extract %reduce_sum3A_206[0, 0, 0] : f32 from vector<1x1x1xf32>
    %mul3A_208 = vector.broadcast %dot_general3A_201 : vector<1x128xf32> to vector<5000x128xf32>
    %mul3A_209 = arith.mulf %get3A_142, %mul3A_208 : vector<5000x128xf32>
    %reduce_sum3A_210 = arith.constant dense<0.000000e+00> : vector<5000xf32>
    %reduce_sum3A_211 = vector.multi_reduction <add>, %mul3A_209, %reduce_sum3A_210 [1] : vector<5000x128xf32> to vector<5000xf32>
    %broadcast_in_dim3A_212 = vector.shape_cast %reduce_sum3A_211 : vector<5000xf32> to vector<5000x1xf32>
    %broadcast_in_dim3A_213 = arith.constant 1.000000e+00 : f32
    %broadcast_in_dim3A_214 = vector.broadcast %broadcast_in_dim3A_213 : f32 to vector<5000x1xf32>
    %add3A_215 = vector.broadcast %reduce_sum3A_207 : f32 to vector<5000x1xf32>
    %add3A_216 = arith.addf %broadcast_in_dim3A_212, %add3A_215 : vector<5000x1xf32>
    %concatenate3A_217 = tpu.concatenate %broadcast_in_dim3A_214, %add3A_216 in 1 : vector<5000x1xf32>, vector<5000x1xf32> -> vector<5000x2xf32>
    %convert_element_type3A_218 = arith.truncf %concatenate3A_217 : vector<5000x2xf32> to vector<5000x2xbf16>
    %swap3A_219 = arith.constant 0 : index
    %swap3A_220 = arith.constant 0 : index
    %swap3A_221 = vector.load %arg9[%swap3A_219, %swap3A_220] : memref<5120x2xbf16, #tpu.memory_space<vmem>>, vector<5000x2xbf16>
    tpu.vector_store %arg9[%swap3A_219, %swap3A_220], %convert_element_type3A_218 {strides = array<i32>} : memref<5120x2xbf16, #tpu.memory_space<vmem>>, vector<5000x2xbf16>,
    %broadcast_in_dim3A_222 = arith.constant 0.000000e+00 : bf16
    %broadcast_in_dim3A_223 = vector.broadcast %broadcast_in_dim3A_222 : bf16 to vector<120x2xbf16>
    %swap3A_224 = arith.constant 5000 : index
    %swap3A_225 = arith.constant 0 : index
    %swap3A_226 = vector.load %arg9[%swap3A_224, %swap3A_225] : memref<5120x2xbf16, #tpu.memory_space<vmem>>, vector<120x2xbf16>
    tpu.vector_store %arg9[%swap3A_224, %swap3A_225], %broadcast_in_dim3A_223 {strides = array<i32>} : memref<5120x2xbf16, #tpu.memory_space<vmem>>, vector<120x2xbf16>,
    %get3A_227 = arith.constant 1 : i32
    %get3A_228 = arith.constant 0 : i32
    %get3A_229 = arith.constant 0 : i32
    %get3A_230 = tpu.memref_slice %arg2[%get3A_227, %get3A_228, %get3A_229] : memref<2x384x128xf32, #tpu.memory_space<vmem>> -> memref<1x384x128xf32, #tpu.memory_space<vmem>>
    %get3A_231 = arith.constant 0 : index
    %get3A_232 = arith.constant 0 : index
    %get3A_233 = arith.constant 0 : index
    %get3A_234 = vector.load %get3A_230[%get3A_231, %get3A_232, %get3A_233] : memref<1x384x128xf32, #tpu.memory_space<vmem>>, vector<1x128x128xf32>
    %get3A_235 = vector.shape_cast %get3A_234 : vector<1x128x128xf32> to vector<128x128xf32>
    %get3A_236 = arith.constant 1 : i32
    %get3A_237 = arith.constant 0 : i32
    %get3A_238 = arith.constant 0 : i32
    %get3A_239 = tpu.memref_slice %arg3[%get3A_236, %get3A_237, %get3A_238] : memref<2x1x384xf32, #tpu.memory_space<vmem>> -> memref<1x1x384xf32, #tpu.memory_space<vmem>>
    %get3A_240 = arith.constant 0 : index
    %get3A_241 = arith.constant 0 : index
    %get3A_242 = arith.constant 0 : index
    %get3A_243 = vector.load %get3A_239[%get3A_240, %get3A_241, %get3A_242] : memref<1x1x384xf32, #tpu.memory_space<vmem>>, vector<1x1x128xf32>
    %get3A_244 = vector.shape_cast %get3A_243 : vector<1x1x128xf32> to vector<1x128xf32>
    %sqrt3A_245 = arith.constant 1.280000e+02 : f32
    %sqrt3A_246 = math.sqrt %sqrt3A_245 : f32
    %div3A_247 = arith.constant 1.000000e+00 : f32
    %div3A_248 = arith.divf %div3A_247, %sqrt3A_246 : f32
    %scan3A_249 = arith.constant 0 : i32
    %scan3A_250 = arith.constant 3 : i32
    %scan3A_251 = arith.addi %scan3A_249, %scan3A_250 : i32
    %scan3A_252 = arith.constant 1 : i32
    scf.for %scan3A_294 = %scan3A_249 to %scan3A_251 step %scan3A_252  : i32 {
      %mul3A_295 = arith.constant 1280 : i32
      %mul3A_296 = arith.muli %scan3A_294, %mul3A_295 : i32
      %get3A_297 = arith.index_cast %mul3A_296 : i32 to index
      %get3A_298 = arith.constant 0 : index
      %get3A_299 = vector.load %arg1[%get3A_297, %get3A_298] : memref<5000x128xf32, #tpu.memory_space<vmem>>, vector<1280x128xf32>
      %dot_general3A_300 = arith.constant dense<0.000000e+00> : vector<1280x128xf32>
      %dot_general3A_301 = tpu.matmul %get3A_299, %get3A_235, %dot_general3A_300 {dimension_numbers = #tpu.dot_dimension_numbers<[1], [1], [0], [0], [0, 0, 1, 0], [], []>, transpose_lhs_hint = false} : vector<1280x128xf32>, vector<128x128xf32>, vector<1280x128xf32> -> vector<1280x128xf32>
      %add3A_302 = vector.broadcast %get3A_244 : vector<1x128xf32> to vector<1280x128xf32>
      %add3A_303 = arith.addf %dot_general3A_301, %add3A_302 : vector<1280x128xf32>
      %mul3A_304 = vector.broadcast %div3A_248 : f32 to vector<1280x128xf32>
      %mul3A_305 = arith.mulf %add3A_303, %mul3A_304 : vector<1280x128xf32>
      %convert_element_type3A_306 = arith.truncf %mul3A_305 : vector<1280x128xf32> to vector<1280x128xbf16>
      %get3A_307 = arith.constant 0 : index
      %get3A_308 = arith.constant 0 : index
      %get3A_309 = vector.load %arg8[%get3A_307, %get3A_308] : memref<5120x128xf32, #tpu.memory_space<vmem>>, vector<5120x128xf32>
      %convert_element_type3A_310 = arith.truncf %get3A_309 : vector<5120x128xf32> to vector<5120x128xbf16>
      %dot_general3A_311 = arith.constant dense<0.000000e+00> : vector<1280x5120xf32>
      %dot_general3A_312 = tpu.matmul %convert_element_type3A_306, %convert_element_type3A_310, %dot_general3A_311 {dimension_numbers = #tpu.dot_dimension_numbers<[1], [1], [0], [0], [0, 0, 1, 0], [], []>, transpose_lhs_hint = false} : vector<1280x128xbf16>, vector<5120x128xbf16>, vector<1280x5120xf32> -> vector<1280x5120xf32>
      %convert_element_type3A_313 = arith.truncf %dot_general3A_312 : vector<1280x5120xf32> to vector<1280x5120xbf16>
      %exp3A_314 = math.exp %convert_element_type3A_313 : vector<1280x5120xbf16>
      %get3A_315 = arith.constant 0 : index
      %get3A_316 = arith.constant 0 : index
      %get3A_317 = vector.load %arg9[%get3A_315, %get3A_316] : memref<5120x2xbf16, #tpu.memory_space<vmem>>, vector<5120x2xbf16>
      %dot_general3A_318 = arith.constant dense<0.000000e+00> : vector<1280x2xf32>
      %dot_general3A_319 = tpu.matmul %exp3A_314, %get3A_317, %dot_general3A_318 {dimension_numbers = #tpu.dot_dimension_numbers<[1], [0], [0], [1], [0, 0, 1, 1], [], []>, transpose_lhs_hint = false} : vector<1280x5120xbf16>, vector<5120x2xbf16>, vector<1280x2xf32> -> vector<1280x2xf32>
      %slice3A_320 = vector.extract_strided_slice %dot_general3A_319 {offsets = [0, 1], sizes = [1280, 1], strides = [1, 1]} : vector<1280x2xf32> to vector<1280x1xf32>
      %slice3A_321 = vector.extract_strided_slice %dot_general3A_319 {offsets = [0, 0], sizes = [1280, 1], strides = [1, 1]} : vector<1280x2xf32> to vector<1280x1xf32>
      %div3A_322 = arith.divf %slice3A_320, %slice3A_321 : vector<1280x1xf32>
      %get3A_323 = arith.constant 1 : i32
      %get3A_324 = arith.constant 0 : i32
      %get3A_325 = arith.constant 0 : i32
      %get3A_326 = tpu.memref_slice %arg5[%get3A_323, %get3A_324, %get3A_325] : memref<2x1x1xf32, #tpu.memory_space<vmem>> -> memref<1x1x1xf32, #tpu.memory_space<vmem>>
      %get3A_327 = arith.constant 0 : index
      %get3A_328 = arith.constant 0 : index
      %get3A_329 = arith.constant 0 : index
      %get3A_330 = vector.load %get3A_326[%get3A_327, %get3A_328, %get3A_329] : memref<1x1x1xf32, #tpu.memory_space<vmem>>, vector<1x1x1xf32>
      %get3A_331 = vector.shape_cast %get3A_330 : vector<1x1x1xf32> to vector<1x1xf32>
      %add3A_332 = vector.broadcast %get3A_331 : vector<1x1xf32> to vector<1280x1xf32>
      %add3A_333 = arith.addf %div3A_322, %add3A_332 : vector<1280x1xf32>
      %mul3A_334 = arith.constant 1280 : i32
      %mul3A_335 = arith.muli %scan3A_294, %mul3A_334 : i32
      %swap3A_336 = arith.index_cast %mul3A_335 : i32 to index
      %swap3A_337 = arith.constant 0 : index
      %swap3A_338 = vector.load %arg7[%swap3A_336, %swap3A_337] : memref<5000x1xf32, #tpu.memory_space<vmem>>, vector<1280x1xf32>
      tpu.vector_store %arg7[%swap3A_336, %swap3A_337], %add3A_333 {strides = array<i32>} : memref<5000x1xf32, #tpu.memory_space<vmem>>, vector<1280x1xf32>,
    }
    %scan3A_253 = arith.constant 3 : i32
    %get3A_254 = arith.constant 3720 : index
    %get3A_255 = arith.constant 0 : index
    %get3A_256 = vector.load %arg1[%get3A_254, %get3A_255] : memref<5000x128xf32, #tpu.memory_space<vmem>>, vector<1280x128xf32>
    %dot_general3A_257 = arith.constant dense<0.000000e+00> : vector<1280x128xf32>
    %dot_general3A_258 = tpu.matmul %get3A_256, %get3A_235, %dot_general3A_257 {dimension_numbers = #tpu.dot_dimension_numbers<[1], [1], [0], [0], [0, 0, 1, 0], [], []>, transpose_lhs_hint = false} : vector<1280x128xf32>, vector<128x128xf32>, vector<1280x128xf32> -> vector<1280x128xf32>
    %add3A_259 = vector.broadcast %get3A_244 : vector<1x128xf32> to vector<1280x128xf32>
    %add3A_260 = arith.addf %dot_general3A_258, %add3A_259 : vector<1280x128xf32>
    %mul3A_261 = vector.broadcast %div3A_248 : f32 to vector<1280x128xf32>
    %mul3A_262 = arith.mulf %add3A_260, %mul3A_261 : vector<1280x128xf32>
    %convert_element_type3A_263 = arith.truncf %mul3A_262 : vector<1280x128xf32> to vector<1280x128xbf16>
    %get3A_264 = arith.constant 0 : index
    %get3A_265 = arith.constant 0 : index
    %get3A_266 = vector.load %arg8[%get3A_264, %get3A_265] : memref<5120x128xf32, #tpu.memory_space<vmem>>, vector<5120x128xf32>
    %convert_element_type3A_267 = arith.truncf %get3A_266 : vector<5120x128xf32> to vector<5120x128xbf16>
    %dot_general3A_268 = arith.constant dense<0.000000e+00> : vector<1280x5120xf32>
    %dot_general3A_269 = tpu.matmul %convert_element_type3A_263, %convert_element_type3A_267, %dot_general3A_268 {dimension_numbers = #tpu.dot_dimension_numbers<[1], [1], [0], [0], [0, 0, 1, 0], [], []>, transpose_lhs_hint = false} : vector<1280x128xbf16>, vector<5120x128xbf16>, vector<1280x5120xf32> -> vector<1280x5120xf32>
    %convert_element_type3A_270 = arith.truncf %dot_general3A_269 : vector<1280x5120xf32> to vector<1280x5120xbf16>
    %exp3A_271 = math.exp %convert_element_type3A_270 : vector<1280x5120xbf16>
    %get3A_272 = arith.constant 0 : index
    %get3A_273 = arith.constant 0 : index
    %get3A_274 = vector.load %arg9[%get3A_272, %get3A_273] : memref<5120x2xbf16, #tpu.memory_space<vmem>>, vector<5120x2xbf16>
    %dot_general3A_275 = arith.constant dense<0.000000e+00> : vector<1280x2xf32>
    %dot_general3A_276 = tpu.matmul %exp3A_271, %get3A_274, %dot_general3A_275 {dimension_numbers = #tpu.dot_dimension_numbers<[1], [0], [0], [1], [0, 0, 1, 1], [], []>, transpose_lhs_hint = false} : vector<1280x5120xbf16>, vector<5120x2xbf16>, vector<1280x2xf32> -> vector<1280x2xf32>
    %slice3A_277 = vector.extract_strided_slice %dot_general3A_276 {offsets = [0, 1], sizes = [1280, 1], strides = [1, 1]} : vector<1280x2xf32> to vector<1280x1xf32>
    %slice3A_278 = vector.extract_strided_slice %dot_general3A_276 {offsets = [0, 0], sizes = [1280, 1], strides = [1, 1]} : vector<1280x2xf32> to vector<1280x1xf32>
    %div3A_279 = arith.divf %slice3A_277, %slice3A_278 : vector<1280x1xf32>
    %get3A_280 = arith.constant 1 : i32
    %get3A_281 = arith.constant 0 : i32
    %get3A_282 = arith.constant 0 : i32
    %get3A_283 = tpu.memref_slice %arg5[%get3A_280, %get3A_281, %get3A_282] : memref<2x1x1xf32, #tpu.memory_space<vmem>> -> memref<1x1x1xf32, #tpu.memory_space<vmem>>
    %get3A_284 = arith.constant 0 : index
    %get3A_285 = arith.constant 0 : index
    %get3A_286 = arith.constant 0 : index
    %get3A_287 = vector.load %get3A_283[%get3A_284, %get3A_285, %get3A_286] : memref<1x1x1xf32, #tpu.memory_space<vmem>>, vector<1x1x1xf32>
    %get3A_288 = vector.shape_cast %get3A_287 : vector<1x1x1xf32> to vector<1x1xf32>
    %add3A_289 = vector.broadcast %get3A_288 : vector<1x1xf32> to vector<1280x1xf32>
    %add3A_290 = arith.addf %div3A_279, %add3A_289 : vector<1280x1xf32>
    %swap3A_291 = arith.constant 3720 : index
    %swap3A_292 = arith.constant 0 : index
    %swap3A_293 = vector.load %arg7[%swap3A_291, %swap3A_292] : memref<5000x1xf32, #tpu.memory_space<vmem>>, vector<1280x1xf32>
    tpu.vector_store %arg7[%swap3A_291, %swap3A_292], %add3A_290 {strides = array<i32>} : memref<5000x1xf32, #tpu.memory_space<vmem>>, vector<1280x1xf32>,
    return
  }
}

module attributes {stable_mosaic.version = 14 : i64} {
  func.func @_expand_body(%arg0: i32, %arg1: memref<512x1xf32, #tpu.memory_space<vmem>>, %arg2: memref<512x1xf32, #tpu.memory_space<vmem>>, %arg3: memref<512x1xf32, #tpu.memory_space<vmem>>, %arg4: memref<512x1xf32, #tpu.memory_space<vmem>>, %arg5: memref<2x1x128xf32, #tpu.memory_space<vmem>>, %arg6: memref<2x1x128xf32, #tpu.memory_space<vmem>>, %arg7: memref<2x1x128xf32, #tpu.memory_space<vmem>>, %arg8: memref<512x128xf32, #tpu.memory_space<vmem>>, %arg9: memref<512x128xf32, #tpu.memory_space<vmem>>) attributes {dimension_semantics = [#tpu.dimension_semantics<arbitrary>], iteration_bounds = array<i64: 10>, scalar_prefetch = 0 : i64, scratch_operands = 0 : i64, tpu.core_type = #tpu.core_type<tc>, window_params = [{transform_indices = @transform_0, window_bounds = array<i64: 512, 1>}, {transform_indices = @transform_1, window_bounds = array<i64: 512, 1>}, {transform_indices = @transform_2, window_bounds = array<i64: 512, 1>}, {transform_indices = @transform_3, window_bounds = array<i64: 512, 1>}, {pipeline_mode = #tpu.pipeline_mode<synchronous>, transform_indices = @transform_4, window_bounds = array<i64: 2, 1, 128>}, {pipeline_mode = #tpu.pipeline_mode<synchronous>, transform_indices = @transform_5, window_bounds = array<i64: 2, 1, 128>}, {pipeline_mode = #tpu.pipeline_mode<synchronous>, transform_indices = @transform_6, window_bounds = array<i64: 2, 1, 128>}, {transform_indices = @transform_7, window_bounds = array<i64: 512, 128>}, {transform_indices = @transform_8, window_bounds = array<i64: 512, 128>}]} {
    %get3A = arith.constant 0 : index
    %get3A_0 = arith.constant 0 : index
    %get3A_1 = vector.load %arg1[%get3A, %get3A_0] : memref<512x1xf32, #tpu.memory_space<vmem>>, vector<512x1xf32>
    %get3A_2 = arith.constant 0 : index
    %get3A_3 = arith.constant 0 : index
    %get3A_4 = arith.constant 0 : index
    %get3A_5 = vector.load %arg5[%get3A_2, %get3A_3, %get3A_4] : memref<2x1x128xf32, #tpu.memory_space<vmem>>, vector<1x1x128xf32>
    %get3A_6 = vector.shape_cast %get3A_5 : vector<1x1x128xf32> to vector<1x128xf32>
    %mul3A = vector.broadcast %get3A_1 : vector<512x1xf32> to vector<512x128xf32>
    %mul3A_7 = vector.broadcast %get3A_6 : vector<1x128xf32> to vector<512x128xf32>
    %mul3A_8 = arith.mulf %mul3A, %mul3A_7 : vector<512x128xf32>
    %get3A_9 = arith.constant 0 : index
    %get3A_10 = arith.constant 0 : index
    %get3A_11 = arith.constant 0 : index
    %get3A_12 = vector.load %arg6[%get3A_9, %get3A_10, %get3A_11] : memref<2x1x128xf32, #tpu.memory_space<vmem>>, vector<1x1x128xf32>
    %get3A_13 = vector.shape_cast %get3A_12 : vector<1x1x128xf32> to vector<1x128xf32>
    %add3A = vector.broadcast %get3A_13 : vector<1x128xf32> to vector<512x128xf32>
    %add3A_14 = arith.addf %mul3A_8, %add3A : vector<512x128xf32>
    %get3A_15 = arith.constant 0 : index
    %get3A_16 = arith.constant 0 : index
    %get3A_17 = vector.load %arg3[%get3A_15, %get3A_16] : memref<512x1xf32, #tpu.memory_space<vmem>>, vector<512x1xf32>
    %get3A_18 = arith.constant 0 : index
    %get3A_19 = arith.constant 0 : index
    %get3A_20 = arith.constant 0 : index
    %get3A_21 = vector.load %arg7[%get3A_18, %get3A_19, %get3A_20] : memref<2x1x128xf32, #tpu.memory_space<vmem>>, vector<1x1x128xf32>
    %get3A_22 = vector.shape_cast %get3A_21 : vector<1x1x128xf32> to vector<1x128xf32>
    %mul3A_23 = vector.broadcast %get3A_17 : vector<512x1xf32> to vector<512x128xf32>
    %mul3A_24 = vector.broadcast %get3A_22 : vector<1x128xf32> to vector<512x128xf32>
    %mul3A_25 = arith.mulf %mul3A_23, %mul3A_24 : vector<512x128xf32>
    %add3A_26 = arith.addf %add3A_14, %mul3A_25 : vector<512x128xf32>
    %swap3A = arith.constant 0 : index
    %swap3A_27 = arith.constant 0 : index
    %swap3A_28 = vector.load %arg8[%swap3A, %swap3A_27] : memref<512x128xf32, #tpu.memory_space<vmem>>, vector<512x128xf32>
    tpu.vector_store %arg8[%swap3A, %swap3A_27], %add3A_26 {strides = array<i32>} : memref<512x128xf32, #tpu.memory_space<vmem>>, vector<512x128xf32>,
    %get3A_29 = arith.constant 0 : index
    %get3A_30 = arith.constant 0 : index
    %get3A_31 = vector.load %arg2[%get3A_29, %get3A_30] : memref<512x1xf32, #tpu.memory_space<vmem>>, vector<512x1xf32>
    %get3A_32 = arith.constant 1 : index
    %get3A_33 = arith.constant 0 : index
    %get3A_34 = arith.constant 0 : index
    %get3A_35 = vector.load %arg5[%get3A_32, %get3A_33, %get3A_34] : memref<2x1x128xf32, #tpu.memory_space<vmem>>, vector<1x1x128xf32>
    %get3A_36 = vector.shape_cast %get3A_35 : vector<1x1x128xf32> to vector<1x128xf32>
    %mul3A_37 = vector.broadcast %get3A_31 : vector<512x1xf32> to vector<512x128xf32>
    %mul3A_38 = vector.broadcast %get3A_36 : vector<1x128xf32> to vector<512x128xf32>
    %mul3A_39 = arith.mulf %mul3A_37, %mul3A_38 : vector<512x128xf32>
    %get3A_40 = arith.constant 1 : index
    %get3A_41 = arith.constant 0 : index
    %get3A_42 = arith.constant 0 : index
    %get3A_43 = vector.load %arg6[%get3A_40, %get3A_41, %get3A_42] : memref<2x1x128xf32, #tpu.memory_space<vmem>>, vector<1x1x128xf32>
    %get3A_44 = vector.shape_cast %get3A_43 : vector<1x1x128xf32> to vector<1x128xf32>
    %add3A_45 = vector.broadcast %get3A_44 : vector<1x128xf32> to vector<512x128xf32>
    %add3A_46 = arith.addf %mul3A_39, %add3A_45 : vector<512x128xf32>
    %get3A_47 = arith.constant 0 : index
    %get3A_48 = arith.constant 0 : index
    %get3A_49 = vector.load %arg4[%get3A_47, %get3A_48] : memref<512x1xf32, #tpu.memory_space<vmem>>, vector<512x1xf32>
    %get3A_50 = arith.constant 1 : index
    %get3A_51 = arith.constant 0 : index
    %get3A_52 = arith.constant 0 : index
    %get3A_53 = vector.load %arg7[%get3A_50, %get3A_51, %get3A_52] : memref<2x1x128xf32, #tpu.memory_space<vmem>>, vector<1x1x128xf32>
    %get3A_54 = vector.shape_cast %get3A_53 : vector<1x1x128xf32> to vector<1x128xf32>
    %mul3A_55 = vector.broadcast %get3A_49 : vector<512x1xf32> to vector<512x128xf32>
    %mul3A_56 = vector.broadcast %get3A_54 : vector<1x128xf32> to vector<512x128xf32>
    %mul3A_57 = arith.mulf %mul3A_55, %mul3A_56 : vector<512x128xf32>
    %add3A_58 = arith.addf %add3A_46, %mul3A_57 : vector<512x128xf32>
    %swap3A_59 = arith.constant 0 : index
    %swap3A_60 = arith.constant 0 : index
    %swap3A_61 = vector.load %arg9[%swap3A_59, %swap3A_60] : memref<512x128xf32, #tpu.memory_space<vmem>>, vector<512x128xf32>
    tpu.vector_store %arg9[%swap3A_59, %swap3A_60], %add3A_58 {strides = array<i32>} : memref<512x128xf32, #tpu.memory_space<vmem>>, vector<512x128xf32>,
    return
  }
  func.func @transform_0(%arg0: i32) -> (i32, i32) {
    %c0_i32 = arith.constant 0 : i32
    %c0_i32_0 = arith.constant 0 : i32
    return %arg0, %c0_i32 : i32, i32
  }
  func.func @transform_1(%arg0: i32) -> (i32, i32) {
    %c0_i32 = arith.constant 0 : i32
    %c0_i32_0 = arith.constant 0 : i32
    return %arg0, %c0_i32 : i32, i32
  }
  func.func @transform_2(%arg0: i32) -> (i32, i32) {
    %c0_i32 = arith.constant 0 : i32
    %c0_i32_0 = arith.constant 0 : i32
    return %arg0, %c0_i32 : i32, i32
  }
  func.func @transform_3(%arg0: i32) -> (i32, i32) {
    %c0_i32 = arith.constant 0 : i32
    %c0_i32_0 = arith.constant 0 : i32
    return %arg0, %c0_i32 : i32, i32
  }
  func.func @transform_4(%arg0: i32) -> (i32, i32, i32) {
    %c0_i32 = arith.constant 0 : i32
    %c0_i32_0 = arith.constant 0 : i32
    %c0_i32_1 = arith.constant 0 : i32
    %c0_i32_2 = arith.constant 0 : i32
    return %c0_i32, %c0_i32_0, %c0_i32_1 : i32, i32, i32
  }
  func.func @transform_5(%arg0: i32) -> (i32, i32, i32) {
    %c0_i32 = arith.constant 0 : i32
    %c0_i32_0 = arith.constant 0 : i32
    %c0_i32_1 = arith.constant 0 : i32
    %c0_i32_2 = arith.constant 0 : i32
    return %c0_i32, %c0_i32_0, %c0_i32_1 : i32, i32, i32
  }
  func.func @transform_6(%arg0: i32) -> (i32, i32, i32) {
    %c0_i32 = arith.constant 0 : i32
    %c0_i32_0 = arith.constant 0 : i32
    %c0_i32_1 = arith.constant 0 : i32
    %c0_i32_2 = arith.constant 0 : i32
    return %c0_i32, %c0_i32_0, %c0_i32_1 : i32, i32, i32
  }
  func.func @transform_7(%arg0: i32) -> (i32, i32) {
    %c0_i32 = arith.constant 0 : i32
    %c0_i32_0 = arith.constant 0 : i32
    return %arg0, %c0_i32 : i32, i32
  }
  func.func @transform_8(%arg0: i32) -> (i32, i32) {
    %c0_i32 = arith.constant 0 : i32
    %c0_i32_0 = arith.constant 0 : i32
    return %arg0, %c0_i32 : i32, i32
  }
}

</mosaic_0001>

<sc_bundles>
// kernel: kernel.5.cloned.1.call-start
scs
__scs_entry_jumppad:
0x0: {  	(pc) =	sbr.rel $0x88, $3  }
0x1: {  	(tag) =	ssettag $0x0;
	lr =	simm.s32 $0x1  }
0x2: {  	[smem:$0x3F8F] =	sst lr;
	_ =	strace $0xD0000000  }
0x3: {  	_ = 	snop  }
0x4: {  	_ = 	snop  }
0x5: {  	_ = 	snop  }
0x6: {  	_ = 	snop  }
0x7: {  	_ = 	snop  }
__scs_overlays_trampoline_lowered:
0x8: {  	[smem:$0x3F9E] =	sst s0  }
0x9: {  	[smem:$0x3F9F] =	sst s1  }
0xa: {  	[smem:$0x3FA0] =	sst s2  }
0xb: {  	[smem:$0x3FA1] =	sst s3  }
0xc: {  	[smem:$0x3FA2] =	sst s4  }
0xd: {  	[smem:$0x3FA3] =	sst s5  }
0xe: {  	[smem:$0x3FA4] =	sst s6  }
0xf: {  	[smem:$0x3FA5] =	sst s7  }
0x10: {  	[smem:$0x3FA6] =	sst s8  }
0x11: {  	[smem:$0x3FA7] =	sst s9;
	s0 =	simm.s32 @!p0 $0x0  }
0x12: {  	s1 =	sld [smem:$0x3F8D];
	s0 =	simm.s32 @p0 $0x1  }
0x13: {  	[smem:$0x3FA8] =	sst s0;
	s0 =	simm.s32 @!p1 $0x0  }
0x14: {  	s2 =	sld [smem:$0x3F8C];
	s0 =	simm.s32 @p1 $0x1  }
0x15: {  	[smem:$0x3FA9] =	sst s0;
	s0 =	simm.s32 @!p2 $0x0  }
0x16: {  	s3 =	sld [smem:$0x3FDB];
	s0 =	simm.s32 @p2 $0x1  }
0x17: {  	s4 =	simm.s32 $0x1BF5;
	[smem:$0x3FAB] =	sst s0  }
0x18: {  	s0 =	sld [smem:$0x3F8E];
	_ =	swait.ge [sflag:s4], $0x0  }
0x19: {  	s7 =	sld [smem:$0x3F8F]  }
0x1a: {  	s8 =	sadd.s32 $0xFFFFE003, lr  }
0x1b: {  	s9 =	sadd.s32 $0xFFFFFEF7, lr;
	s5 =	simm.s32 $0xFFFFFFFF;
	p2 =	slt.u32 s8, $0xFFFFF086  }
0x1c: {  	p1 =	slt.u32 s9, $0xF7A;
	s5 =	simm.s32 @!p2 $0x0  }
0x1d: {  	s5 =	simm.s32 @p1 $0x1;
	p0 =	seq.s32 s7, s2  }
0x1e: {  	s7 =	smul.u32 @!p0 $0xF7A, s2;
	p2 =	seq.s32 @!p0 s5, $0x0  }
0x1f: {  	s9 =	smul.u32 $0xF7A, s1;
	s8 =	simm.s32 @!p0 $0x1BF5;
	p2 =	por !p2, p0  }
0x20: {  	[sflag:s8] =	ssyncset.s32 @!p0 $0xFFFFF086;
	s6 =	sadd.s32 @!p0 s3, s7;
	s7 =	simm.s32 @!p0 $0x108  }
0x21: {  	s3 =	sadd.s32 s3, s9;
	s6 =	sadd.s32 @!p0 $0x88, s6;
	s7 =	simm.s32 @p2 $0x1082  }
0x22: {  	[simem:s7], [sflag:s8] =	dma.local @!p0 [hbm:s6], $0xF7A  }
0x23: {  	s9 =	sor.u32 $0xD0000000, s2;
	s6 =	simm.s32 $0x108;
	_ =	swait.ge @!p0 [sflag:s8], $0x0  }
0x24: {  	s3 =	sadd.s32 $0x88, s3;
	s6 =	simm.s32 @!p1 $0x1082;
	[sflag:s4] =	ssyncset.s32 $0xFFFFF086  }
0x25: {  	[simem:s6], [sflag:s4] =	dma.local [hbm:s3], $0xF7A  }
0x26: {  	[smem:$0x3F8F] =	sst s1;
	(tag) =	ssettag s2;
	_ =	strace s9  }
0x27: {  	s1 =	sld [smem:$0x3F9F]  }
0x28: {  	s2 =	sld [smem:$0x3FA0]  }
0x29: {  	s4 =	sld [smem:$0x3FA2]  }
0x2a: {  	p0 =	seq.s32 s5, $0x0;
	s5 =	sld [smem:$0x3FA3]  }
0x2b: {  	s6 =	sld [smem:$0x3FA4]  }
0x2c: {  	s7 =	sld [smem:$0x3FA5]  }
0x2d: {  	s3 =	simm.s32 $0x108;
	s8 =	sld [smem:$0x3FA6]  }
0x2e: {  	s3 =	simm.s32 @!p0 $0x1082;
	s9 =	sld [smem:$0x3FA7]  }
0x2f: {  	lr =	sadd.s32 s0, s3;
	s0 =	sld [smem:$0x3F9E]  }
0x30: {  	s3 =	sld [smem:$0x3FA1]  }
0x31: {  	[smem:$0x3FAA] =	sst s10  }
0x32: {  	s10 =	sld [smem:$0x3FA8];
	_ =	sdelay $0x3  }
0x33: {  	p0 =	seq.s32 s10, $0x1;
	s10 =	sld [smem:$0x3FAA];
	_ =	sdelay $0x3  }
0x34: {  	[smem:$0x3FAA] =	sst s10  }
0x35: {  	s10 =	sld [smem:$0x3FA9];
	_ =	sdelay $0x3  }
0x36: {  	p1 =	seq.s32 s10, $0x1;
	s10 =	sld [smem:$0x3FAA];
	_ =	sdelay $0x3  }
0x37: {  	[smem:$0x3FAA] =	sst s10  }
0x38: {  	s10 =	sld [smem:$0x3FAB]  }
0x39: {  	_ = 	snop;
	(pc) =	sbr.ind lr, $3  }
0x3a: {  	_ = 	snop  }
0x3b: {  	_ = 	snop  }
0x3c: {  	p2 =	seq.s32 s10, $0x1;
	s10 =	sld [smem:$0x3FAA]  }
0x3d: {  	_ =	shalt  }
0x3e: {  	_ =	shalt  }
0x3f: {  	_ =	shalt  }
0x40: {  	_ =	shalt  }
0x41: {  	_ =	shalt  }
0x42: {  	_ =	shalt  }
0x43: {  	_ =	shalt  }
0x44: {  	_ =	shalt  }
0x45: {  	_ =	shalt  }
0x46: {  	_ =	shalt  }
0x47: {  	_ =	shalt  }
0x48: {  	_ =	shalt  }
0x49: {  	_ =	shalt  }
0x4a: {  	_ =	shalt  }
0x4b: {  	_ =	shalt  }
0x4c: {  	_ =	shalt  }
0x4d: {  	_ =	shalt  }
0x4e: {  	_ =	shalt  }
0x4f: {  	_ =	shalt  }
0x50: {  	_ =	shalt  }
0x51: {  	_ =	shalt  }
0x52: {  	_ =	shalt  }
0x53: {  	_ =	shalt  }
0x54: {  	_ =	shalt  }
0x55: {  	_ =	shalt  }
0x56: {  	_ =	shalt  }
0x57: {  	_ =	shalt  }
0x58: {  	_ =	shalt  }
0x59: {  	_ =	shalt  }
0x5a: {  	_ =	shalt  }
0x5b: {  	_ =	shalt  }
0x5c: {  	_ =	shalt  }
0x5d: {  	_ =	shalt  }
0x5e: {  	_ =	shalt  }
0x5f: {  	_ =	shalt  }
0x60: {  	_ =	shalt  }
0x61: {  	_ =	shalt  }
0x62: {  	_ =	shalt  }
0x63: {  	_ =	shalt  }
0x64: {  	_ =	shalt  }
0x65: {  	_ =	shalt  }
0x66: {  	_ =	shalt  }
0x67: {  	_ =	shalt  }
0x68: {  	_ =	shalt  }
0x69: {  	_ =	shalt  }
0x6a: {  	_ =	shalt  }
0x6b: {  	_ =	shalt  }
0x6c: {  	_ =	shalt  }
0x6d: {  	_ =	shalt  }
0x6e: {  	_ =	shalt  }
0x6f: {  	_ =	shalt  }
0x70: {  	_ =	shalt  }
0x71: {  	_ =	shalt  }
0x72: {  	_ =	shalt  }
0x73: {  	_ =	shalt  }
0x74: {  	_ =	shalt  }
0x75: {  	_ =	shalt  }
0x76: {  	_ =	shalt  }
0x77: {  	_ =	shalt  }
0x78: {  	_ =	shalt  }
0x79: {  	_ =	shalt  }
0x7a: {  	_ =	shalt  }
0x7b: {  	_ =	shalt  }
0x7c: {  	_ =	shalt  }
0x7d: {  	_ =	shalt  }
0x7e: {  	_ =	shalt  }
0x7f: {  	_ =	shalt  }
0x80: {  	_ =	shalt  }
0x81: {  	_ =	shalt  }
0x82: {  	_ =	shalt  }
0x83: {  	_ =	shalt  }
0x84: {  	_ =	shalt  }
0x85: {  	_ =	shalt  }
0x86: {  	_ =	shalt  }
0x87: {  	_ =	shalt  }
.Lfunc_end0:
.L_simem_size_0:
called_computation_lowered:
.L_overlay_start_0:
0x88: {  	s2 =	sld [smem:$0x3FD9]  }
0x89: {  	s3 =	sld [smem:$0x3FFE];
	_ =	sdelay $0x1  }
0x8a: {  	s1 =	srdreg.scid  }
0x8b: {  	s0 =	sand.u32 $0x1, s1  }
0x8c: {  	s14 =	sshll.u32 s0, $0xA;
	s2 =	sadd.s32 s3, s2  }
0x8d: {  	s2 =	sadd.s32 s2, s14  }
0x8e: {  	[smem:$0x3FB6] =	sst s2  }
0x8f: {  	_ = 	snop  }
0x90: {  	s2 =	sld [smem:$0x3FD0];
	_ =	sdelay $0x2  }
0x91: {  	s15 =	simm.s32 $0xA;
	s4 =	simm.s32 $0x10  }
0x92: {  	[smem:s4], [sflag:s15] =	dma.local [hbm:s2], $0x1  }
0x93: {  	_ =	swait.eq [sflag:s15], $0x1  }
0x94: {  	[sflag:s15] =	ssyncset.done $0x0  }
0x95: {  	s16 =	sld [smem:$0x10];
	[sflag:s15] =	ssyncadd.s32 $0xFFFFFFFF  }
0x96: {  	s17 =	sld [smem:$0x11];
	(tm) =	ssettm $0x1  }
0x97: {  	s18 =	sld [smem:$0x3FFB];
	_ =	sdelay $0x3  }
0x98: {  	_ =	strace s18  }
0x99: {  	s4 =	sld [smem:$0x3FFC];
	_ =	sdelay $0x3  }
0x9a: {  	_ =	strace s4  }
0x9b: {  	s4 =	sld [smem:$0x3FFD];
	_ =	sdelay $0x3  }
0x9c: {  	_ =	strace s4  }
0x9d: {  	_ =	strace $0x8FFFFFFF  }
0x9e: {  	s19 =	sld [smem:$0x3FDB];
	_ =	sdelay $0x1  }
0x9f: {  	s5 =	simm.s32 $_scs_section_size  }
0xa0: {  	s6 =	simm.s32 $_size__tile_overlayer_lowered;
	s7 =	simm.s32 $_tile_overlayer_lowered  }
0xa1: {  	s22 =	simm.s32 $0x1BFF;
	s21 =	sshll.u32 s7, $0x1;
	s4 =	sadd.s32 s5, s19  }
0xa2: {  	s8 =	simm.s32 $0x0;
	s20 =	sshll.u32 s6, $0x1;
	s6 =	sadd.s32 s21, s4  }
0xa3: {  	[timem:s8], [sflag:s22] =	dma.local [hbm:s6], s20  }
0xa4: {  	_ =	swait.ge [sflag:s22], s20  }
0xa5: {  	s5 =	ssub.s32 $0x0, s20;
	[sflag:s22] =	ssyncset.done $0x0  }
0xa6: {  	[sflag:s22] =	ssyncadd.s32 s5;
	_ =	sdelay $0x1  }
0xa7: {  	s23 =	simm.s32 $0x1B8B  }
0xa8: {  	_ =	swait.ge [sflag:s23], $0x1  }
0xa9: {  	[sflag:s23] =	ssyncset.done $0x0  }
0xaa: {  	s25 =	simm.s32 $0x1B8E;
	s24 =	sld [smem:$0x3FFE];
	[sflag:s23] =	ssyncadd.s32 $0xFFFFFFFF  }
0xab: {  	s26 =	simm.s32 $execute0_lowered;
	[smem:$0x3FD2] =	sst s25  }
0xac: {  	s6 =	sshll.u32 s26, $0x1;
	_ =	strace $0x80000046;
	[dreg:$0x1] =	wrdreg $0xFFFFFFFF  }
0xad: {  	s28 =	simm.s32 $_size_execute0_lowered;
	s4 =	sadd.s32 s4, s6;
	[dreg:$0x0] =	wrdreg $0x0  }
0xae: {  	s6 =	sshll.u32 s28, $0x1;
	[dreg:$0x2] =	wrdreg s4  }
0xaf: {  	[dreg:$0x3] =	wrdreg s6  }
0xb0: {  	[dreg:$0x4] =	wrdreg $0xC0  }
0xb1: {  	_ =	task [dreg:s8], $0x5FFFF  }
0xb2: {  	[dreg:$0x1] =	wrdreg $0xFFFFFFFF  }
0xb3: {  	[dreg:$0x0] =	wrdreg $0x60  }
0xb4: {  	[dreg:$0x2] =	wrdreg s24  }
0xb5: {  	[dreg:$0x3] =	wrdreg s17  }
0xb6: {  	[dreg:$0x4] =	wrdreg s16  }
0xb7: {  	[dreg:$0x5] =	wrdreg $0x56000  }
0xb8: {  	[dreg:$0x6] =	wrdreg $0x57400  }
0xb9: {  	[dreg:$0x7] =	wrdreg $0x58800  }
0xba: {  	[dreg:$0x8] =	wrdreg $0x9  }
0xbb: {  	_ =	task.clear_ibuf [dreg:s8], $0x9FFFF;
	_ =	strace $0x90000046  }
0xbc: {  	s29 =	simm.s32 $0x9;
	_ =	strace $0x80000048  }
0xbd: {  	_ =	swait.ge [sflag:s29], $0x1  }
0xbe: {  	[sflag:s29] =	ssyncadd.s32 $0xFFFFFFFF  }
0xbf: {  	_ =	strace $0x90000048  }
0xc0: {  	_ =	sfence  }
0xc1: {  	s30 =	sld [smem:$0x0];
	_ =	sdelay $0x2  }
0xc2: {  	s31 =	sshll.u32 s1, $0xD;
	s1 =	sshrl.u32 s1, $0x2  }
0xc3: {  	s3 =	sand.u32 $0x4000, s31;
	s1 =	sadd.s32 s1, s30  }
0xc4: {  	s0 =	sor.u32 s3, s0;
	s1 =	sshll.u32 s1, $0x11  }
0xc5: {  	s0 =	sor.u32 s1, s0  }
0xc6: {  	s0 =	sadd.s32 $0x8F2B, s0  }
0xc7: {  	[sflag:s0] =	ssyncadd.remote.s32 $0x1  }
0xc8: {  	_ =	sfence.sel $0xFFFF  }
0xc9: {  	[dreg:$0x0] =	wrdreg $0xFFFFFFFF;
	(pc) =	sbr.abs _section_cstart, $3  }
0xca: {  	[dreg:$0x1] =	wrdreg $0xFFFFFFFF  }
0xcb: {  	_ =	task.clear_ibuf [dreg:s8], $0x2FFFF;
	_ =	strace $0x9FFFFFFF  }
0xcc: {  	(tm) =	ssettm $0x7FFFFFFF  }
0xcd: {  	_ =	shalt  }
tec
execute0_lowered:
.L_overlay_start_1:
0x0: {  	(tag) =	ssettag $0x1  }
0x1: {  	s0 =	rddreg [dreg:$0x0]  }
0x2: {  	s8 =	rddreg [dreg:$0x1]  }
0x3: {  	s9 =	rddreg [dreg:$0x2]  }
0x4: {  	s1 =	rddreg [dreg:$0x3]  }
0x5: {  	s2 =	rddreg [dreg:$0x4]  }
0x6: {  	s3 =	rddreg [dreg:$0x5];
	s5 =	srdreg.scid  }
0x7: {  	s14 =	stileid.u32;
	s4 =	simm.s32 $0x0;
	s17 =	simm.s32 $0x5100  }
0x8: {  	s18 =	simm.s32 $0x3;
	s20 =	simm.s32 $0x80;
	s21 =	simm.s32 $0x5000  }
0x9: {  	s22 =	simm.s32 $0x5080;
	s23 =	simm.s32 $0x1;
	s24 =	simm.s32 $0x2  }
0xa: {  	s26 =	simm.s32 $0x4F00;
	s28 =	simm.s32 $0x4F80;
	s11 =	smul.u32 $0x140, s14  }
0xb: {  	s7 =	sand.u32 $0x1, s5;
	[smem:$0x7FF] =	sst s4;
	s13 =	smul.u32 $0x2800, s14  }
0xc: {  	s5 =	sadd.s32 $0x600, s0;
	p0 =	sne.s32 s14, $0x0;
	s6 =	smul.u32 $0x1400, s7  }
0xd: {  	_ =	strace $0x80000047;
	s10 =	smul.u32 $0x28000, s7;
	s15 =	sxor.u32 $0x1, s7  }
0xe: {  	s7 =	ssub.s32 $0x2, s7;
	s14 =	sshrl.u32 @!p0 s1, $0x3;
	s16 =	sshrl.u32 @!p0 s3, $0x3  }
0xf: {  	s15 =	smul.u32 $0x280, s15;
	s31 =	sshrl.u32 s7, $0x1;
	s12 =	sadd.s32 s11, s6  }
0x10: {  	s6 =	sadd.s32 $0x800, s0;
	s10 =	sadd.s32 s13, s10;
	s13 =	ssub.s32 s7, s31  }
0x11: {  	s12 =	sshrl.u32 s12, $0x3;
	s10 =	sshrl.u32 s10, $0x3;
	s7 =	sadd.s32 s0, s15  }
0x12: {  	s13 =	smax.u32 s13, $0x1;
	s15 =	sshrl.u32 @!p0 s2, $0x3;
	s12 =	sadd.s32 s12, s0  }
0x13: {  	s8 =	sadd.s32 s8, s10;
	s9 =	sadd.s32 s9, s10;
	s10 =	sadd.s32 s11, s1  }
0x14: {  	s11 =	sadd.s32 s11, s2;
	s0 =	simm.s32 $0x0;
	s12 =	sadd.s32 $0xC00, s12  }
.LBB2_1:
0x15: {  	s19 =	simm.s32 @!p0 $0x1C03;
	s25 =	simm.s32 @!p0 $0x3  }
0x16: {  	[spmem:s14], [sflag:s19] =	dma.local @!p0 [hbm:s6], $0x280  }
0x17: {  	_ =	swait.ge @!p0 [sflag:s25], $0x280  }
0x18: {  	[sflag:s25] =	ssyncset.done @!p0 $0x0  }
0x19: {  	[sflag:s25] =	ssyncadd.s32 @!p0 $0xFFFFFD80  }
0x1a: {  	[spmem:s15], [sflag:s19] =	dma.local @!p0 [hbm:s6], $0x280  }
0x1b: {  	_ =	swait.ge @!p0 [sflag:s25], $0x280  }
0x1c: {  	[sflag:s25] =	ssyncset.done @!p0 $0x0  }
0x1d: {  	[sflag:s25] =	ssyncadd.s32 @!p0 $0xFFFFFD80  }
0x1e: {  	[spmem:s16], [sflag:s19] =	dma.local @!p0 [hbm:s7], $0x280  }
0x1f: {  	_ =	swait.ge @!p0 [sflag:s25], $0x280  }
0x20: {  	[sflag:s25] =	ssyncset.done @!p0 $0x0  }
0x21: {  	[sflag:s25] =	ssyncadd.s32 @!p0 $0xFFFFFD80  }
0x22: {  	[tilespmem:s17], [sflag:$0x3] =	stream.linear.gather [hbm4b:s5+s4], $0x80, $0x38;
	[tilespmem:$0x59C0] =	vst v63  }
0x23: {  	_ =	swait.ge [sflag:s18], $0x80  }
0x24: {  	[sflag:s18] =	ssyncset.done $0x0  }
0x25: {  	[sflag:s18] =	ssyncadd.s32 $0xFFFFFF80  }
0x26: {  	[tilespmem:s4], [sflag:$0x3] =	stream.linear.gather [hbm4b:s8+s4], $0x2800, $0x38;
	[tilespmem:$0x59C0] =	vst v63  }
0x27: {  	_ =	swait.ge [sflag:s18], $0x2800  }
0x28: {  	[sflag:s18] =	ssyncset.done $0x0  }
0x29: {  	s31 =	simm.s32 $0x2800;
	[sflag:s18] =	ssyncadd.s32 $0xFFFFD800  }
0x2a: {  	[tilespmem:s31], [sflag:$0x3] =	stream.linear.gather [hbm4b:s9+s4], $0x2800, $0x38;
	[tilespmem:$0x59C0] =	vst v63  }
0x2b: {  	_ =	swait.ge [sflag:s18], $0x2800  }
0x2c: {  	[sflag:s18] =	ssyncset.done $0x0  }
0x2d: {  	[sflag:s18] =	ssyncadd.s32 $0xFFFFD800  }
0x2e: {  	[bflag:$0x0] =	sbarrier.arrive $0xFFFF  }
0x2f: {  	[tilespmem:s21], [sflag:$0x1] =	stream.indirect.gather [spmem:s3], $0x1, s4, s20, $0xb8;
	[tilespmem:$0x59C0] =	vst v63  }
0x30: {  	s25 =	simm.s32 $0x80  }
0x31: {  	[tilespmem:s22], [sflag:$0x2] =	stream.indirect.gather [spmem:s3], $0x1, s25, s20, $0xb8;
	[tilespmem:$0x59C0] =	vst v63  }
0x32: {  	_ =	swait.ge [sflag:s23], $0x80  }
0x33: {  	[sflag:s23] =	ssyncset.done $0x0  }
0x34: {  	s29 =	simm.s32 $0x2800;
	[sflag:s23] =	ssyncadd.s32 $0xFFFFFF80  }
0x35: {  	[spmem:s1] =	stream.indirect.scatter.add.f32 [tilespmem:s21], [sflag:$0x3], $0x1, s29, s20, $0xb8;
	[tilespmem:$0x59C0] =	vst v63  }
0x36: {  	_ =	swait.ge [sflag:s18], $0x80  }
0x37: {  	[sflag:s18] =	ssyncset.done $0x0  }
0x38: {  	[sflag:s18] =	ssyncadd.s32 $0xFFFFFF80  }
0x39: {  	[spmem:s2] =	stream.indirect.scatter.add.f32 [tilespmem:s17], [sflag:$0x3], $0x1, s29, s20, $0xb8;
	[tilespmem:$0x59C0] =	vst v63  }
0x3a: {  	_ =	swait.ge [sflag:s18], $0x80  }
0x3b: {  	[sflag:s18] =	ssyncset.done $0x0  }
0x3c: {  	s30 =	simm.s32 $0x100;
	[sflag:s18] =	ssyncadd.s32 $0xFFFFFF80  }
0x3d: {  	[tilespmem:s21], [sflag:$0x1] =	stream.indirect.gather [spmem:s3], $0x1, s30, s20, $0xb8;
	[tilespmem:$0x59C0] =	vst v63  }
0x3e: {  	_ =	swait.ge [sflag:s24], $0x80  }
0x3f: {  	[sflag:s24] =	ssyncset.done $0x0  }
0x40: {  	s31 =	simm.s32 $0x2880;
	[sflag:s24] =	ssyncadd.s32 $0xFFFFFF80  }
0x41: {  	[spmem:s1] =	stream.indirect.scatter.add.f32 [tilespmem:s22], [sflag:$0x3], $0x1, s31, s20, $0xb8;
	[tilespmem:$0x59C0] =	vst v63  }
0x42: {  	_ =	swait.ge [sflag:s18], $0x80  }
0x43: {  	[sflag:s18] =	ssyncset.done $0x0  }
0x44: {  	[sflag:s18] =	ssyncadd.s32 $0xFFFFFF80  }
0x45: {  	[spmem:s2] =	stream.indirect.scatter.add.f32 [tilespmem:s17], [sflag:$0x3], $0x1, s31, s20, $0xb8;
	[tilespmem:$0x59C0] =	vst v63  }
0x46: {  	_ =	swait.ge [sflag:s18], $0x80  }
0x47: {  	s19 =	simm.s32 $0x100;
	s25 =	simm.s32 $0x800;
	[sflag:s18] =	ssyncset.done $0x0  }
.LBB2_2:
0x48: {  	s29 =	sadd.s32 $0x80, s19  }
0x49: {  	[sflag:s18] =	ssyncadd.s32 $0xFFFFFF80;
	s30 =	smov.u32 s25;
	s31 =	sadd.s32 $0x400, s25  }
0x4a: {  	[tilespmem:s22], [sflag:$0x2] =	stream.indirect.gather [spmem:s3], $0x1, s29, s20, $0xb8;
	[tilespmem:$0x59C0] =	vst v63  }
0x4b: {  	p1 =	sne.s32 s25, $0x9800;
	_ =	swait.ge [sflag:s23], $0x80  }
0x4c: {  	[sflag:s23] =	ssyncset.done $0x0  }
0x4d: {  	s25 =	sadd.s32 $0x2800, s19;
	[sflag:s23] =	ssyncadd.s32 $0xFFFFFF80  }
0x4e: {  	[spmem:s1] =	stream.indirect.scatter.add.f32 [tilespmem:s21], [sflag:$0x3], $0x1, s25, s20, $0xb8;
	[tilespmem:$0x59C0] =	vst v63  }
0x4f: {  	_ =	swait.ge [sflag:s18], $0x80  }
0x50: {  	[sflag:s18] =	ssyncset.done $0x0  }
0x51: {  	[sflag:s18] =	ssyncadd.s32 $0xFFFFFF80  }
0x52: {  	[spmem:s2] =	stream.indirect.scatter.add.f32 [tilespmem:s17], [sflag:$0x3], $0x1, s25, s20, $0xb8;
	[tilespmem:$0x59C0] =	vst v63  }
0x53: {  	_ =	swait.ge [sflag:s18], $0x80  }
0x54: {  	[sflag:s18] =	ssyncset.done $0x0  }
0x55: {  	s25 =	sadd.s32 $0x100, s19;
	[sflag:s18] =	ssyncadd.s32 $0xFFFFFF80  }
0x56: {  	[tilespmem:s21], [sflag:$0x1] =	stream.indirect.gather [spmem:s3], $0x1, s25, s20, $0xb8;
	[tilespmem:$0x59C0] =	vst v63  }
0x57: {  	_ =	swait.ge [sflag:s24], $0x80  }
0x58: {  	[sflag:s24] =	ssyncset.done $0x0  }
0x59: {  	s19 =	sadd.s32 $0x2880, s19;
	[sflag:s24] =	ssyncadd.s32 $0xFFFFFF80  }
0x5a: {  	[spmem:s1] =	stream.indirect.scatter.add.f32 [tilespmem:s22], [sflag:$0x3], $0x1, s19, s20, $0xb8;
	[tilespmem:$0x59C0] =	vst v63  }
0x5b: {  	_ =	swait.ge [sflag:s18], $0x80  }
.Ltmp0:
0x5c: {  	[sflag:s18] =	ssyncset.done $0x0;
	(pc) =	sbr.rel @p1 .LBB2_2-.Ltmp0, $4  }
0x5d: {  	[sflag:s18] =	ssyncadd.s32 $0xFFFFFF80  }
0x5e: {  	[spmem:s2] =	stream.indirect.scatter.add.f32 [tilespmem:s17], [sflag:$0x3], $0x1, s19, s20, $0xb8;
	[tilespmem:$0x59C0] =	vst v63  }
0x5f: {  	_ =	swait.ge [sflag:s18], $0x80  }
0x60: {  	s25 =	smov.u32 s31;
	s19 =	sshra.s32 s30, $0x2;
	[sflag:s18] =	ssyncset.done $0x0  }
0x61: {  	s25 =	sadd.s32 $0x80, s19;
	[sflag:s18] =	ssyncadd.s32 $0xFFFFFF80  }
0x62: {  	[tilespmem:s22], [sflag:$0x2] =	stream.indirect.gather [spmem:s3], $0x1, s25, s20, $0xb8;
	[tilespmem:$0x59C0] =	vst v63  }
0x63: {  	_ =	swait.ge [sflag:s23], $0x80  }
0x64: {  	[sflag:s23] =	ssyncset.done $0x0  }
0x65: {  	s31 =	sadd.s32 $0x2800, s19;
	[sflag:s23] =	ssyncadd.s32 $0xFFFFFF80  }
0x66: {  	[spmem:s1] =	stream.indirect.scatter.add.f32 [tilespmem:s21], [sflag:$0x3], $0x1, s31, s20, $0xb8;
	[tilespmem:$0x59C0] =	vst v63  }
0x67: {  	_ =	swait.ge [sflag:s18], $0x80  }
0x68: {  	[sflag:s18] =	ssyncset.done $0x0  }
0x69: {  	[sflag:s18] =	ssyncadd.s32 $0xFFFFFF80  }
0x6a: {  	[spmem:s2] =	stream.indirect.scatter.add.f32 [tilespmem:s17], [sflag:$0x3], $0x1, s31, s20, $0xb8;
	[tilespmem:$0x59C0] =	vst v63  }
0x6b: {  	_ =	swait.ge [sflag:s18], $0x80  }
0x6c: {  	[sflag:s18] =	ssyncset.done $0x0  }
0x6d: {  	s31 =	sadd.s32 $0x100, s19;
	[sflag:s18] =	ssyncadd.s32 $0xFFFFFF80  }
0x6e: {  	[tilespmem:s21], [sflag:$0x1] =	stream.indirect.gather [spmem:s3], $0x1, s31, s20, $0xb8;
	[tilespmem:$0x59C0] =	vst v63  }
0x6f: {  	_ =	swait.ge [sflag:s24], $0x80  }
0x70: {  	[sflag:s24] =	ssyncset.done $0x0  }
0x71: {  	s25 =	sadd.s32 $0x2880, s19;
	[sflag:s24] =	ssyncadd.s32 $0xFFFFFF80  }
0x72: {  	[spmem:s1] =	stream.indirect.scatter.add.f32 [tilespmem:s22], [sflag:$0x3], $0x1, s25, s20, $0xb8;
	[tilespmem:$0x59C0] =	vst v63  }
0x73: {  	_ =	swait.ge [sflag:s18], $0x80  }
0x74: {  	[sflag:s18] =	ssyncset.done $0x0  }
0x75: {  	[sflag:s18] =	ssyncadd.s32 $0xFFFFFF80  }
0x76: {  	[spmem:s2] =	stream.indirect.scatter.add.f32 [tilespmem:s17], [sflag:$0x3], $0x1, s25, s20, $0xb8;
	[tilespmem:$0x59C0] =	vst v63  }
0x77: {  	_ =	swait.ge [sflag:s18], $0x80  }
0x78: {  	[sflag:s18] =	ssyncset.done $0x0  }
0x79: {  	s31 =	simm.s32 $0x2780;
	[sflag:s18] =	ssyncadd.s32 $0xFFFFFF80  }
0x7a: {  	[tilespmem:s22], [sflag:$0x2] =	stream.indirect.gather [spmem:s3], $0x1, s31, s20, $0xb8;
	[tilespmem:$0x59C0] =	vst v63  }
0x7b: {  	_ =	swait.ge [sflag:s23], $0x80  }
0x7c: {  	[sflag:s23] =	ssyncset.done $0x0  }
0x7d: {  	[sflag:s23] =	ssyncadd.s32 $0xFFFFFF80  }
0x7e: {  	[spmem:s1] =	stream.indirect.scatter.add.f32 [tilespmem:s21], [sflag:$0x3], $0x1, s26, s20, $0xb8;
	[tilespmem:$0x59C0] =	vst v63  }
0x7f: {  	_ =	swait.ge [sflag:s18], $0x80  }
0x80: {  	[sflag:s18] =	ssyncset.done $0x0  }
0x81: {  	[sflag:s18] =	ssyncadd.s32 $0xFFFFFF80  }
0x82: {  	[spmem:s2] =	stream.indirect.scatter.add.f32 [tilespmem:s17], [sflag:$0x3], $0x1, s26, s20, $0xb8;
	[tilespmem:$0x59C0] =	vst v63  }
0x83: {  	_ =	swait.ge [sflag:s18], $0x80  }
0x84: {  	[sflag:s18] =	ssyncset.done $0x0  }
0x85: {  	[sflag:s18] =	ssyncadd.s32 $0xFFFFFF80  }
0x86: {  	_ =	swait.ge [sflag:s24], $0x80  }
0x87: {  	[sflag:s24] =	ssyncset.done $0x0  }
0x88: {  	[sflag:s24] =	ssyncadd.s32 $0xFFFFFF80  }
0x89: {  	[spmem:s1] =	stream.indirect.scatter.add.f32 [tilespmem:s22], [sflag:$0x3], $0x1, s28, s20, $0xb8;
	[tilespmem:$0x59C0] =	vst v63  }
0x8a: {  	_ =	swait.ge [sflag:s18], $0x80  }
0x8b: {  	[sflag:s18] =	ssyncset.done $0x0  }
0x8c: {  	[sflag:s18] =	ssyncadd.s32 $0xFFFFFF80  }
0x8d: {  	[spmem:s2] =	stream.indirect.scatter.add.f32 [tilespmem:s17], [sflag:$0x3], $0x1, s28, s20, $0xb8;
	[tilespmem:$0x59C0] =	vst v63  }
0x8e: {  	_ =	swait.ge [sflag:s18], $0x80  }
0x8f: {  	[sflag:s18] =	ssyncset.done $0x0  }
0x90: {  	[sflag:s18] =	ssyncadd.s32 $0xFFFFFF80  }
0x91: {  	s25 =	simm.s32 $0x5180;
	[bflag:$0x0] =	sbarrier.arrive $0xFFFF  }
0x92: {  	[tilespmem:s25], [sflag:$0x3] =	stream.linear.gather [spmem:s10], $0x140, $0x38;
	[tilespmem:$0x59C0] =	vst v63  }
0x93: {  	_ =	swait.ge [sflag:s18], $0x140  }
0x94: {  	[sflag:s18] =	ssyncset.done $0x0  }
0x95: {  	s31 =	simm.s32 $0x5300;
	[sflag:s18] =	ssyncadd.s32 $0xFFFFFEC0  }
0x96: {  	[tilespmem:s31], [sflag:$0x3] =	stream.linear.gather [spmem:s11], $0x140, $0x38;
	[tilespmem:$0x59C0] =	vst v63  }
0x97: {  	_ =	swait.ge [sflag:s18], $0x140  }
0x98: {  	[sflag:s18] =	ssyncset.done $0x0  }
0x99: {  	s29 =	simm.s32 $0x0;
	[sflag:s18] =	ssyncadd.s32 $0xFFFFFEC0  }
0x9a: {  	v1 =	vld [tilespmem:s29+$0x5300];
	_ =	sdelay $0x4  }
0x9b: {  	v0 =	vmax.f32 v1, $1.000000000e+00  }
0x9c: {  	(erf) = vrcp.f32 v0;
	_ =	sdelay $0x1  }
0x9d: {  	s19 =	simm.s32 $0x10  }
0x9e: {  	v0 =	vld [tilespmem:s19+$0x5300];
	_ =	sdelay $0x4  }
0x9f: {  	s25 =	simm.s32 $0x20;
	v3 =	vld [tilespmem:s29+$0x5180];
	v2 =	vmax.f32 v0, $1.000000000e+00  }
0xa0: {  	v4 =	vpop (erf);
	(erf) = vrcp.f32 v2;
	v2 =	vld [tilespmem:s25+$0x5300];
	_ =	sdelay $0x3  }
0xa1: {  	s30 =	simm.s32 $0xC0;
	v3 =	vmul.f32 v4, v3  }
.LBB2_4:
0xa2: {  	s31 =	sshra.s32 s30, $0x2;
	p1 =	sne.s32 s30, $0x4C0;
	s30 =	sadd.s32 $0x40, s30;
	v4 =	vmax.f32 v2, $1.000000000e+00;
	v5 =	vld [tilespmem:s19+$0x5180];
	vm0 =	vgt.f32 v1, $0.0e+00;
	v1 =	vmovc v0;
	v0 =	vmov v2  }
.Ltmp1:
0xa3: {  	v2 =	vld [tilespmem:s31+$0x5300];
	(erf) = vrcp.f32 v4;
	v3 =	vnsel vm0, $0x0, v3;
	(pc) =	sbr.rel @p1 .LBB2_4-.Ltmp1, $4  }
0xa4: {  	[tilespmem:s29+$0x5480] =	vst v3;
	s29 =	smov.u32 s19;
	s19 =	smov.u32 s25;
	s25 =	smov.u32 s31  }
0xa5: {  	_ = 	snop  }
0xa6: {  	v3 =	vpop (erf)  }
0xa7: {  	v3 =	vmul.f32 v3, v5  }
0xa8: {  	v4 =	vmax.f32 v2, $1.000000000e+00  }
0xa9: {  	(erf) = vrcp.f32 v4;
	_ =	sdelay $0x1  }
0xaa: {  	vm0 =	vgt.f32 v1, $0.0e+00  }
0xab: {  	v3 =	vnsel vm0, $0x0, v3  }
0xac: {  	v60 =	vld [tilespmem:s19+$0x5180];
	[tilespmem:s29+$0x5480] =	vst v3  }
0xad: {  	v3 =	vld [tilespmem:s25+$0x5180];
	_ =	sdelay $0x2  }
0xae: {  	v61 =	vpop (erf)  }
0xaf: {  	v1 =	vmul.f32 v61, v60;
	v62 =	vpop (erf)  }
0xb0: {  	vm14 =	vgt.f32 v0, $0.0e+00;
	v63 =	vmul.f32 v62, v3  }
0xb1: {  	vm15 =	vgt.f32 v2, $0.0e+00;
	s0 =	sadd.s32 $0x1, s0;
	v1 =	vnsel vm14, $0x0, v1  }
0xb2: {  	p1 =	sne.s32 s0, s13;
	[tilespmem:s19+$0x5480] =	vst v1;
	v0 =	vnsel vm15, $0x0, v63  }
.Ltmp2:
0xb3: {  	s31 =	simm.s32 $0x5480;
	[tilespmem:s25+$0x5480] =	vst v0;
	(pc) =	sbr.rel @p1 .LBB2_1-.Ltmp2, $4  }
0xb4: {  	[hbm4b:s12+s4] =	stream.linear.scatter [tilespmem:s31], [sflag:$0x3], $0x140, $0x38;
	[tilespmem:$0x59C0] =	vst v63  }
0xb5: {  	_ =	swait.ge [sflag:s18], $0x140  }
0xb6: {  	[sflag:s18] =	ssyncset.done $0x0  }
0xb7: {  	[sflag:s18] =	ssyncadd.s32 $0xFFFFFEC0  }
0xb8: {  	_ =	sfence.sel $0x180000  }
0xb9: {  	[bflag:$0x0] =	sbarrier.arrive $0xFFFF  }
0xba: {  	_ =	strace $0x90000047  }
0xbb: {  	[bflag:$0x2] =	sbarrier.arrive $0xFFFF  }
0xbc: {  	s0 =	rddreg [dreg:$0x6]  }
0xbd: {  	s0 =	sadd.s32 @!p0 $0x100000, s0  }
0xbe: {  	[sflag:s0] =	ssyncadd.tile.s32 @!p0 $0x1;
	_ =	shalt  }
.Lfunc_end2:
_tile_overlayer_lowered:
.L_overlay_start_2:
0xbf: {  	(tag) =	ssettag $0x2  }
0xc0: {  	s0 =	rddreg [dreg:$0x0];
	s2 =	stileid.u32  }
0xc1: {  	s1 =	rddreg [dreg:$0x1];
	p0 =	sne.s32 s2, $0x0  }
0xc2: {  	s3 =	rddreg [dreg:$0x2];
	[bflag:$0x3] =	sbarrier.arrive $0xFFFF;
	s2 =	simm.s32 @!p0 $0x1C03  }
0xc3: {  	[timem:s3], [sflag:s2] =	dma.local @!p0 [hbm:s0], s1  }
0xc4: {  	s0 =	simm.s32 @!p0 $0x3  }
0xc5: {  	_ =	swait.ge @!p0 [sflag:s0], s1  }
0xc6: {  	s1 =	ssub.s32 @!p0 $0x0, s1;
	[sflag:s0] =	ssyncset.done @!p0 $0x0  }
0xc7: {  	[sflag:s0] =	ssyncadd.s32 @!p0 s1  }
0xc8: {  	[bflag:$0x3] =	sbarrier.arrive $0xFFFF  }
0xc9: {  	_ =	shalt  }

</sc_bundles>
